<compile_context>
chip_gen: v7x
topology: tpu7x:2x2x1
jax: 0.10.2.dev20260603
libtpu: 0.0.44.dev20260713+nightly
codegen_flags: <defaults>
</compile_context>

<pallas_src>
import functools

import jax
import jax.numpy as jnp
from jax import lax
from jax.experimental import pallas as pl
from jax.experimental.pallas import tpu as pltpu
from jax.experimental.pallas import tpu_sc as plsc

B, L, D, H, V = 256, 50, 128, 1024, 1000
N = B * L
NT = 6
TOT = NT * N
G3 = 3 * H

NW = 32
CH, CW = 20, 120


def _sc_gather(emb_all, idx3):
    mesh = plsc.VectorSubcoreMesh(core_axis_name="c", subcore_axis_name="s")
    info = plsc.get_sparse_core_info()
    nc = info.num_cores

    @functools.partial(
        pl.kernel,
        mesh=mesh,
        compiler_params=pltpu.CompilerParams(use_tc_tiling_on_sc=True),
        out_type=jax.ShapeDtypeStruct((TOT, D), jnp.float32),
        scratch_types=[
            pltpu.VMEM((CH, CW), jnp.int32),
            pltpu.VMEM((CW, D), jnp.float32),
            pltpu.VMEM((CW, D), jnp.float32),
            pltpu.SemaphoreType.DMA,
            pltpu.SemaphoreType.DMA,
        ],
    )
    def k(emb_hbm, idx_hbm, out_hbm, idx_v, buf0, buf1, sem0, sem1):
        wid = lax.axis_index("s") * nc + lax.axis_index("c")
        base = wid * (CH * CW)
        pltpu.sync_copy(idx_hbm.at[wid], idx_v)
        bufs = (buf0, buf1)
        sems = (sem0, sem1)
        cps = [None, None]
        cps[0] = pltpu.async_copy(emb_hbm.at[idx_v.at[0]], buf0, sem0)
        for j in range(CH):
            b = j & 1
            cps[b].wait()
            if j + 1 < CH:
                nb = (j + 1) & 1
                cps[nb] = pltpu.async_copy(
                    emb_hbm.at[idx_v.at[j + 1]], bufs[nb], sems[nb])
            pltpu.sync_copy(bufs[b], out_hbm.at[pl.ds(base + j * CW, CW)])

    return k(emb_all, idx3)


def _gru_fused(x3, f3, WeT, Wf128, b_ih2, WhhT, b_hh2, WoutT, b_out2):

    def body(x_ref, f_ref, we_ref, wf_ref, bi_ref, whh_ref, bhh_ref,
             wout_ref, bo_ref, out_ref, h_ref):
        t = pl.program_id(0)

        @pl.when(t == 0)
        def _():
            h_ref[...] = jnp.zeros_like(h_ref)

        h = h_ref[...]
        gi = jnp.dot(x_ref[0].astype(jnp.bfloat16), we_ref[...],
                     preferred_element_type=jnp.float32)
        gi = gi + jnp.dot(f_ref[0].astype(jnp.bfloat16), wf_ref[...],
                          preferred_element_type=jnp.float32)
        gi = gi + bi_ref[...]
        gh = jnp.dot(h.astype(jnp.bfloat16), whh_ref[...],
                     preferred_element_type=jnp.float32) + bhh_ref[...]
        r = jax.nn.sigmoid(gi[:, :H] + gh[:, :H])
        z = jax.nn.sigmoid(gi[:, H:2 * H] + gh[:, H:2 * H])
        n = jnp.tanh(gi[:, 2 * H:] + r * gh[:, 2 * H:])
        h_new = (1.0 - z) * n + z * h
        h_ref[...] = h_new
        out_ref[0, :, :] = jnp.dot(
            h_new.astype(jnp.bfloat16), wout_ref[...],
            preferred_element_type=jnp.float32) + bo_ref[...]

    return pl.pallas_call(
        body,
        grid=(L,),
        in_specs=[
            pl.BlockSpec((1, B, NT * D), lambda t: (t, 0, 0)),
            pl.BlockSpec((1, B, D), lambda t: (t, 0, 0)),
            pl.BlockSpec((NT * D, G3), lambda t: (0, 0)),
            pl.BlockSpec((D, G3), lambda t: (0, 0)),
            pl.BlockSpec((1, G3), lambda t: (0, 0)),
            pl.BlockSpec((H, G3), lambda t: (0, 0)),
            pl.BlockSpec((1, G3), lambda t: (0, 0)),
            pl.BlockSpec((H, V), lambda t: (0, 0)),
            pl.BlockSpec((1, V), lambda t: (0, 0)),
        ],
        out_specs=pl.BlockSpec((1, B, V), lambda t: (t, 0, 0)),
        out_shape=jax.ShapeDtypeStruct((L, B, V), jnp.float32),
        scratch_shapes=[pltpu.VMEM((B, H), jnp.float32)],
    )(x3, f3, WeT, Wf128, b_ih2, WhhT, b_hh2, WoutT, b_out2)


def kernel(input1, input2, input3, input4, input5, input6, inputs7, inputs8,
           emb1, emb2, emb3, emb4, emb5, emb6,
           W_ih, W_hh, b_ih, b_hh, W_out, b_out):
    idx = jnp.stack([input1, input2, input3, input4, input5, input6])
    idx = idx.astype(jnp.int32) + jnp.arange(
        NT, dtype=jnp.int32)[:, None, None] * V
    idx3 = idx.transpose(2, 1, 0).reshape(NW, CH, CW)

    emb_all = jnp.concatenate([emb1, emb2, emb3, emb4, emb5, emb6], axis=0)
    x3 = _sc_gather(emb_all, idx3).reshape(L, B, NT * D)

    f3 = jnp.pad(
        jnp.stack([inputs7.T, inputs8.T], axis=2),
        ((0, 0), (0, 0), (0, D - 2)))

    WeT = W_ih[:, :NT * D].T.astype(jnp.bfloat16)
    Wf128 = jnp.pad(W_ih[:, NT * D:].T, ((0, D - 2), (0, 0))
                    ).astype(jnp.bfloat16)

    logits = _gru_fused(x3, f3, WeT, Wf128, b_ih.reshape(1, G3),
                        W_hh.T.astype(jnp.bfloat16), b_hh.reshape(1, G3),
                        W_out.T.astype(jnp.bfloat16), b_out.reshape(1, V))
    return logits.transpose(1, 0, 2)

# --- scband reference (transcript-rebuilt; emitter-appended) ---
"""Pipeline reference for scband-grumodel-7198365188379 (READ-ONLY COPY).

The authoritative reference and input builder live on the scoring server;
editing this copy changes nothing except your own understanding.
"""

import jax, jax.numpy as jnp
import numpy as np

B, L, D, H, V = 256, 50, 128, 1024, 1000
IN = 6 * D + 2


def setup_inputs(seed: int = 0) -> dict:
    key = jax.random.key(seed)
    ks = jax.random.split(key, 20)
    inp = {}
    for i in range(6):
        inp["input%d" % (i + 1)] = jax.random.randint(ks[i], (B, L), 0, V)
    inp["inputs7"] = jax.random.normal(ks[6], (B, L), dtype=jnp.float32)
    inp["inputs8"] = jax.random.normal(ks[7], (B, L), dtype=jnp.float32)
    for i in range(6):
        inp["emb%d" % (i + 1)] = 0.02 * jax.random.normal(ks[8 + i], (V, D), dtype=jnp.float32)
    inp["W_ih"] = 0.02 * jax.random.normal(ks[14], (3 * H, IN), dtype=jnp.float32)
    inp["W_hh"] = 0.02 * jax.random.normal(ks[15], (3 * H, H), dtype=jnp.float32)
    inp["b_ih"] = jnp.zeros((3 * H,), jnp.float32)
    inp["b_hh"] = jnp.zeros((3 * H,), jnp.float32)
    inp["W_out"] = 0.02 * jax.random.normal(ks[16], (V, H), dtype=jnp.float32)
    inp["b_out"] = jnp.zeros((V,), jnp.float32)
    return inp


def reference(input1, input2, input3, input4, input5, input6, inputs7, inputs8,
              emb1, emb2, emb3, emb4, emb5, emb6,
              W_ih, W_hh, b_ih, b_hh, W_out, b_out):
    # embedding lookups (gather)
    e1 = emb1[input1]
    e2 = emb2[input2]
    e3 = emb3[input3]
    e4 = emb4[input4]
    e5 = emb5[input5]
    e6 = emb6[input6]
    # concat 6 embeddings + 2 continuous features on feature dim -> [B, L, 6*D+2]
    x = jnp.concatenate([e1, e2, e3, e4, e5, e6,
                         inputs7[..., None], inputs8[..., None]], axis=-1)

    def step(h, x_t):
        gi = x_t @ W_ih.T + b_ih
        gh = h @ W_hh.T + b_hh
        i_r, i_z, i_n = jnp.split(gi, 3, axis=-1)
        h_r, h_z, h_n = jnp.split(gh, 3, axis=-1)
        r = jax.nn.sigmoid(i_r + h_r)
        z = jax.nn.sigmoid(i_z + h_z)
        n = jnp.tanh(i_n + r * h_n)
        h_new = (1.0 - z) * n + z * h
        return h_new, h_new

    h0 = jnp.zeros((x.shape[0], W_hh.shape[1]), x.dtype)
    _, hs = jax.lax.scan(step, h0, jnp.swapaxes(x, 0, 1))
    gru_out = jnp.swapaxes(hs, 0, 1)  # [B, L, H]
    # dropout is identity in eval/reference mode
    logits = gru_out @ W_out.T + b_out  # [B, L, V]
    return logits

if __name__ == "__main__":
    import jax
    _d = setup_inputs()
    print(jax.jit(kernel)(*tuple(_d.values())))

</pallas_src>

<mosaic_0001>
#map = affine_map<(d0, d1) -> (0, 0)>
#map1 = affine_map<(d0, d1) -> (0, 0, 0)>
module attributes {stable_mosaic.version = 14 : i64} {
  func.func @k(%arg0: i32, %arg1: i32, %arg2: memref<6000x128xf32, #tpu.memory_space<hbm>>, %arg3: memref<32x20x120xi32, #tpu.memory_space<hbm>>, %arg4: memref<76800x128xf32, #tpu.memory_space<hbm>>, %arg5: memref<20x120xi32, #tpu.memory_space<vmem>>, %arg6: memref<120x128xf32, #tpu.memory_space<vmem>>, %arg7: memref<120x128xf32, #tpu.memory_space<vmem>>, %arg8: memref<!tpu.dma_semaphore, #tpu.memory_space<semaphore_mem>>, %arg9: memref<!tpu.dma_semaphore, #tpu.memory_space<semaphore_mem>>) attributes {dimension_semantics = [#tpu.dimension_semantics<core_parallel>, #tpu.dimension_semantics<subcore_parallel>], iteration_bounds = array<i64: 2, 16>, scalar_prefetch = 0 : i64, scratch_operands = 5 : i64, tpu.core_type = #tpu.core_type<sc_vector_subcore>, window_params = [{transform_indices = #map}, {transform_indices = #map1}, {transform_indices = #map}]} {
    %mul3A = arith.constant 2 : i32
    %mul3A_0 = arith.muli %arg1, %mul3A : i32
    %add3A = arith.addi %mul3A_0, %arg0 : i32
    %mul3A_1 = arith.constant 2400 : i32
    %mul3A_2 = arith.muli %add3A, %mul3A_1 : i32
    "tpu.region"() ({
      %run_scoped3A = tpu.sem_alloc : memref<!tpu.dma_semaphore, #tpu.memory_space<semaphore_mem>>
      %dma_start3A_321 = arith.constant 0 : i32
      %dma_start3A_322 = arith.constant 0 : i32
      %dma_start3A_323 = tpu.memref_slice %arg3[%add3A, %dma_start3A_321, %dma_start3A_322] : memref<32x20x120xi32, #tpu.memory_space<hbm>> -> memref<1x20x120xi32, #tpu.memory_space<hbm>>
      %dma_start3A_324 = tpu.memref_squeeze %dma_start3A_323 : memref<1x20x120xi32, #tpu.memory_space<hbm>> -> memref<20x120xi32, #tpu.memory_space<hbm>>
      %dma_start3A_325 = arith.constant 0 : i32
      %dma_start3A_326 = arith.constant 0 : i32
      %dma_start3A_327 = tpu.memref_slice %arg3[%add3A, %dma_start3A_325, %dma_start3A_326] : memref<32x20x120xi32, #tpu.memory_space<hbm>> -> memref<1x20x120xi32, #tpu.memory_space<hbm>>
      %dma_start3A_328 = tpu.memref_squeeze %dma_start3A_327 : memref<1x20x120xi32, #tpu.memory_space<hbm>> -> memref<20x120xi32, #tpu.memory_space<hbm>>
      tpu.enqueue_dma source(%dma_start3A_328 : memref<20x120xi32, #tpu.memory_space<hbm>>) target(%arg5 : memref<20x120xi32, #tpu.memory_space<vmem>>) target_semaphore(%run_scoped3A : memref<!tpu.dma_semaphore, #tpu.memory_space<semaphore_mem>>)
      %dma_wait3A_329 = arith.constant 0 : i32
      %dma_wait3A_330 = arith.constant 0 : i32
      %dma_wait3A_331 = tpu.memref_slice %arg3[%add3A, %dma_wait3A_329, %dma_wait3A_330] : memref<32x20x120xi32, #tpu.memory_space<hbm>> -> memref<1x20x120xi32, #tpu.memory_space<hbm>>
      %dma_wait3A_332 = tpu.memref_squeeze %dma_wait3A_331 : memref<1x20x120xi32, #tpu.memory_space<hbm>> -> memref<20x120xi32, #tpu.memory_space<hbm>>
      %dma_wait3A_333 = arith.constant 0 : i32
      %dma_wait3A_334 = arith.constant 0 : i32
      %dma_wait3A_335 = tpu.memref_slice %arg3[%add3A, %dma_wait3A_333, %dma_wait3A_334] : memref<32x20x120xi32, #tpu.memory_space<hbm>> -> memref<1x20x120xi32, #tpu.memory_space<hbm>>
      %dma_wait3A_336 = tpu.memref_squeeze %dma_wait3A_335 : memref<1x20x120xi32, #tpu.memory_space<hbm>> -> memref<20x120xi32, #tpu.memory_space<hbm>>
      tpu.wait_dma2 semaphore(%run_scoped3A : memref<!tpu.dma_semaphore, #tpu.memory_space<semaphore_mem>>) src(%dma_wait3A_336 : memref<20x120xi32, #tpu.memory_space<hbm>>) dst(%arg5 : memref<20x120xi32, #tpu.memory_space<vmem>>)
      tpu.yield
    }) : () -> ()
    %dma_start3A = arith.constant 0 : i32
    %dma_start3A_3 = arith.constant 0 : i32
    %dma_start3A_4 = tpu.memref_slice %arg5[%dma_start3A, %dma_start3A_3] : memref<20x120xi32, #tpu.memory_space<vmem>> -> memref<1x120xi32, #tpu.memory_space<vmem>>
    %dma_start3A_5 = tpu.memref_squeeze %dma_start3A_4 : memref<1x120xi32, #tpu.memory_space<vmem>> -> memref<120xi32, #tpu.memory_space<vmem>>
    %dma_start3A_6 = arith.constant 0 : i32
    %dma_start3A_7 = arith.constant 0 : i32
    %dma_start3A_8 = tpu.memref_slice %arg2[%dma_start3A_6, %dma_start3A_7] : memref<6000x128xf32, #tpu.memory_space<hbm>> -> memref<6000x128xf32, #tpu.memory_space<hbm>>
    tpu.enqueue_indirect_dma source(%dma_start3A_8 : memref<6000x128xf32, #tpu.memory_space<hbm>>) target(%arg6 : memref<120x128xf32, #tpu.memory_space<vmem>>) offsets(%dma_start3A_5 : memref<120xi32, #tpu.memory_space<vmem>>) semaphore(%arg8 : memref<!tpu.dma_semaphore, #tpu.memory_space<semaphore_mem>>)
    %dma_wait3A = arith.constant 0 : i32
    %dma_wait3A_9 = arith.constant 0 : i32
    %dma_wait3A_10 = tpu.memref_slice %arg5[%dma_wait3A, %dma_wait3A_9] : memref<20x120xi32, #tpu.memory_space<vmem>> -> memref<1x120xi32, #tpu.memory_space<vmem>>
    %dma_wait3A_11 = tpu.memref_squeeze %dma_wait3A_10 : memref<1x120xi32, #tpu.memory_space<vmem>> -> memref<120xi32, #tpu.memory_space<vmem>>
    %dma_wait3A_12 = arith.constant 0 : i32
    %dma_wait3A_13 = arith.constant 0 : i32
    %dma_wait3A_14 = tpu.memref_slice %arg2[%dma_wait3A_12, %dma_wait3A_13] : memref<6000x128xf32, #tpu.memory_space<hbm>> -> memref<6000x128xf32, #tpu.memory_space<hbm>>
    tpu.wait_indirect_dma semaphore(%arg8 : memref<!tpu.dma_semaphore, #tpu.memory_space<semaphore_mem>>) src(%dma_wait3A_14 : memref<6000x128xf32, #tpu.memory_space<hbm>>) dst(%arg6 : memref<120x128xf32, #tpu.memory_space<vmem>>)
    %dma_start3A_15 = arith.constant 1 : i32
    %dma_start3A_16 = arith.constant 0 : i32
    %dma_start3A_17 = tpu.memref_slice %arg5[%dma_start3A_15, %dma_start3A_16] : memref<20x120xi32, #tpu.memory_space<vmem>> -> memref<1x120xi32, #tpu.memory_space<vmem>>
    %dma_start3A_18 = tpu.memref_squeeze %dma_start3A_17 : memref<1x120xi32, #tpu.memory_space<vmem>> -> memref<120xi32, #tpu.memory_space<vmem>>
    %dma_start3A_19 = arith.constant 0 : i32
    %dma_start3A_20 = arith.constant 0 : i32
    %dma_start3A_21 = tpu.memref_slice %arg2[%dma_start3A_19, %dma_start3A_20] : memref<6000x128xf32, #tpu.memory_space<hbm>> -> memref<6000x128xf32, #tpu.memory_space<hbm>>
    tpu.enqueue_indirect_dma source(%dma_start3A_21 : memref<6000x128xf32, #tpu.memory_space<hbm>>) target(%arg7 : memref<120x128xf32, #tpu.memory_space<vmem>>) offsets(%dma_start3A_18 : memref<120xi32, #tpu.memory_space<vmem>>) semaphore(%arg9 : memref<!tpu.dma_semaphore, #tpu.memory_space<semaphore_mem>>)
    %add3A_22 = arith.constant 0 : i32
    %add3A_23 = arith.addi %mul3A_2, %add3A_22 : i32
    "tpu.region"() ({
      %run_scoped3A = tpu.sem_alloc : memref<!tpu.dma_semaphore, #tpu.memory_space<semaphore_mem>>
      %dma_start3A_321 = arith.constant 0 : i32
      %dma_start3A_322 = tpu.memref_slice %arg4[%add3A_23, %dma_start3A_321] : memref<76800x128xf32, #tpu.memory_space<hbm>> -> memref<120x128xf32, #tpu.memory_space<hbm>>
      %dma_start3A_323 = arith.constant 0 : i32
      %dma_start3A_324 = tpu.memref_slice %arg4[%add3A_23, %dma_start3A_323] : memref<76800x128xf32, #tpu.memory_space<hbm>> -> memref<120x128xf32, #tpu.memory_space<hbm>>
      tpu.enqueue_dma source(%arg6 : memref<120x128xf32, #tpu.memory_space<vmem>>) target(%dma_start3A_324 : memref<120x128xf32, #tpu.memory_space<hbm>>) target_semaphore(%run_scoped3A : memref<!tpu.dma_semaphore, #tpu.memory_space<semaphore_mem>>)
      %dma_wait3A_325 = arith.constant 0 : i32
      %dma_wait3A_326 = tpu.memref_slice %arg4[%add3A_23, %dma_wait3A_325] : memref<76800x128xf32, #tpu.memory_space<hbm>> -> memref<120x128xf32, #tpu.memory_space<hbm>>
      %dma_wait3A_327 = arith.constant 0 : i32
      %dma_wait3A_328 = tpu.memref_slice %arg4[%add3A_23, %dma_wait3A_327] : memref<76800x128xf32, #tpu.memory_space<hbm>> -> memref<120x128xf32, #tpu.memory_space<hbm>>
      tpu.wait_dma2 semaphore(%run_scoped3A : memref<!tpu.dma_semaphore, #tpu.memory_space<semaphore_mem>>) src(%arg6 : memref<120x128xf32, #tpu.memory_space<vmem>>) dst(%dma_wait3A_328 : memref<120x128xf32, #tpu.memory_space<hbm>>)
      tpu.yield
    }) : () -> ()
    %dma_wait3A_24 = arith.constant 1 : i32
    %dma_wait3A_25 = arith.constant 0 : i32
    %dma_wait3A_26 = tpu.memref_slice %arg5[%dma_wait3A_24, %dma_wait3A_25] : memref<20x120xi32, #tpu.memory_space<vmem>> -> memref<1x120xi32, #tpu.memory_space<vmem>>
    %dma_wait3A_27 = tpu.memref_squeeze %dma_wait3A_26 : memref<1x120xi32, #tpu.memory_space<vmem>> -> memref<120xi32, #tpu.memory_space<vmem>>
    %dma_wait3A_28 = arith.constant 0 : i32
    %dma_wait3A_29 = arith.constant 0 : i32
    %dma_wait3A_30 = tpu.memref_slice %arg2[%dma_wait3A_28, %dma_wait3A_29] : memref<6000x128xf32, #tpu.memory_space<hbm>> -> memref<6000x128xf32, #tpu.memory_space<hbm>>
    tpu.wait_indirect_dma semaphore(%arg9 : memref<!tpu.dma_semaphore, #tpu.memory_space<semaphore_mem>>) src(%dma_wait3A_30 : memref<6000x128xf32, #tpu.memory_space<hbm>>) dst(%arg7 : memref<120x128xf32, #tpu.memory_space<vmem>>)
    %dma_start3A_31 = arith.constant 2 : i32
    %dma_start3A_32 = arith.constant 0 : i32
    %dma_start3A_33 = tpu.memref_slice %arg5[%dma_start3A_31, %dma_start3A_32] : memref<20x120xi32, #tpu.memory_space<vmem>> -> memref<1x120xi32, #tpu.memory_space<vmem>>
    %dma_start3A_34 = tpu.memref_squeeze %dma_start3A_33 : memref<1x120xi32, #tpu.memory_space<vmem>> -> memref<120xi32, #tpu.memory_space<vmem>>
    %dma_start3A_35 = arith.constant 0 : i32
    %dma_start3A_36 = arith.constant 0 : i32
    %dma_start3A_37 = tpu.memref_slice %arg2[%dma_start3A_35, %dma_start3A_36] : memref<6000x128xf32, #tpu.memory_space<hbm>> -> memref<6000x128xf32, #tpu.memory_space<hbm>>
    tpu.enqueue_indirect_dma source(%dma_start3A_37 : memref<6000x128xf32, #tpu.memory_space<hbm>>) target(%arg6 : memref<120x128xf32, #tpu.memory_space<vmem>>) offsets(%dma_start3A_34 : memref<120xi32, #tpu.memory_space<vmem>>) semaphore(%arg8 : memref<!tpu.dma_semaphore, #tpu.memory_space<semaphore_mem>>)
    %add3A_38 = arith.constant 120 : i32
    %add3A_39 = arith.addi %mul3A_2, %add3A_38 : i32
    "tpu.region"() ({
      %run_scoped3A = tpu.sem_alloc : memref<!tpu.dma_semaphore, #tpu.memory_space<semaphore_mem>>
      %dma_start3A_321 = arith.constant 0 : i32
      %dma_start3A_322 = tpu.memref_slice %arg4[%add3A_39, %dma_start3A_321] : memref<76800x128xf32, #tpu.memory_space<hbm>> -> memref<120x128xf32, #tpu.memory_space<hbm>>
      %dma_start3A_323 = arith.constant 0 : i32
      %dma_start3A_324 = tpu.memref_slice %arg4[%add3A_39, %dma_start3A_323] : memref<76800x128xf32, #tpu.memory_space<hbm>> -> memref<120x128xf32, #tpu.memory_space<hbm>>
      tpu.enqueue_dma source(%arg7 : memref<120x128xf32, #tpu.memory_space<vmem>>) target(%dma_start3A_324 : memref<120x128xf32, #tpu.memory_space<hbm>>) target_semaphore(%run_scoped3A : memref<!tpu.dma_semaphore, #tpu.memory_space<semaphore_mem>>)
      %dma_wait3A_325 = arith.constant 0 : i32
      %dma_wait3A_326 = tpu.memref_slice %arg4[%add3A_39, %dma_wait3A_325] : memref<76800x128xf32, #tpu.memory_space<hbm>> -> memref<120x128xf32, #tpu.memory_space<hbm>>
      %dma_wait3A_327 = arith.constant 0 : i32
      %dma_wait3A_328 = tpu.memref_slice %arg4[%add3A_39, %dma_wait3A_327] : memref<76800x128xf32, #tpu.memory_space<hbm>> -> memref<120x128xf32, #tpu.memory_space<hbm>>
      tpu.wait_dma2 semaphore(%run_scoped3A : memref<!tpu.dma_semaphore, #tpu.memory_space<semaphore_mem>>) src(%arg7 : memref<120x128xf32, #tpu.memory_space<vmem>>) dst(%dma_wait3A_328 : memref<120x128xf32, #tpu.memory_space<hbm>>)
      tpu.yield
    }) : () -> ()
    %dma_wait3A_40 = arith.constant 2 : i32
    %dma_wait3A_41 = arith.constant 0 : i32
    %dma_wait3A_42 = tpu.memref_slice %arg5[%dma_wait3A_40, %dma_wait3A_41] : memref<20x120xi32, #tpu.memory_space<vmem>> -> memref<1x120xi32, #tpu.memory_space<vmem>>
    %dma_wait3A_43 = tpu.memref_squeeze %dma_wait3A_42 : memref<1x120xi32, #tpu.memory_space<vmem>> -> memref<120xi32, #tpu.memory_space<vmem>>
    %dma_wait3A_44 = arith.constant 0 : i32
    %dma_wait3A_45 = arith.constant 0 : i32
    %dma_wait3A_46 = tpu.memref_slice %arg2[%dma_wait3A_44, %dma_wait3A_45] : memref<6000x128xf32, #tpu.memory_space<hbm>> -> memref<6000x128xf32, #tpu.memory_space<hbm>>
    tpu.wait_indirect_dma semaphore(%arg8 : memref<!tpu.dma_semaphore, #tpu.memory_space<semaphore_mem>>) src(%dma_wait3A_46 : memref<6000x128xf32, #tpu.memory_space<hbm>>) dst(%arg6 : memref<120x128xf32, #tpu.memory_space<vmem>>)
    %dma_start3A_47 = arith.constant 3 : i32
    %dma_start3A_48 = arith.constant 0 : i32
    %dma_start3A_49 = tpu.memref_slice %arg5[%dma_start3A_47, %dma_start3A_48] : memref<20x120xi32, #tpu.memory_space<vmem>> -> memref<1x120xi32, #tpu.memory_space<vmem>>
    %dma_start3A_50 = tpu.memref_squeeze %dma_start3A_49 : memref<1x120xi32, #tpu.memory_space<vmem>> -> memref<120xi32, #tpu.memory_space<vmem>>
    %dma_start3A_51 = arith.constant 0 : i32
    %dma_start3A_52 = arith.constant 0 : i32
    %dma_start3A_53 = tpu.memref_slice %arg2[%dma_start3A_51, %dma_start3A_52] : memref<6000x128xf32, #tpu.memory_space<hbm>> -> memref<6000x128xf32, #tpu.memory_space<hbm>>
    tpu.enqueue_indirect_dma source(%dma_start3A_53 : memref<6000x128xf32, #tpu.memory_space<hbm>>) target(%arg7 : memref<120x128xf32, #tpu.memory_space<vmem>>) offsets(%dma_start3A_50 : memref<120xi32, #tpu.memory_space<vmem>>) semaphore(%arg9 : memref<!tpu.dma_semaphore, #tpu.memory_space<semaphore_mem>>)
    %add3A_54 = arith.constant 240 : i32
    %add3A_55 = arith.addi %mul3A_2, %add3A_54 : i32
    "tpu.region"() ({
      %run_scoped3A = tpu.sem_alloc : memref<!tpu.dma_semaphore, #tpu.memory_space<semaphore_mem>>
      %dma_start3A_321 = arith.constant 0 : i32
      %dma_start3A_322 = tpu.memref_slice %arg4[%add3A_55, %dma_start3A_321] : memref<76800x128xf32, #tpu.memory_space<hbm>> -> memref<120x128xf32, #tpu.memory_space<hbm>>
      %dma_start3A_323 = arith.constant 0 : i32
      %dma_start3A_324 = tpu.memref_slice %arg4[%add3A_55, %dma_start3A_323] : memref<76800x128xf32, #tpu.memory_space<hbm>> -> memref<120x128xf32, #tpu.memory_space<hbm>>
      tpu.enqueue_dma source(%arg6 : memref<120x128xf32, #tpu.memory_space<vmem>>) target(%dma_start3A_324 : memref<120x128xf32, #tpu.memory_space<hbm>>) target_semaphore(%run_scoped3A : memref<!tpu.dma_semaphore, #tpu.memory_space<semaphore_mem>>)
      %dma_wait3A_325 = arith.constant 0 : i32
      %dma_wait3A_326 = tpu.memref_slice %arg4[%add3A_55, %dma_wait3A_325] : memref<76800x128xf32, #tpu.memory_space<hbm>> -> memref<120x128xf32, #tpu.memory_space<hbm>>
      %dma_wait3A_327 = arith.constant 0 : i32
      %dma_wait3A_328 = tpu.memref_slice %arg4[%add3A_55, %dma_wait3A_327] : memref<76800x128xf32, #tpu.memory_space<hbm>> -> memref<120x128xf32, #tpu.memory_space<hbm>>
      tpu.wait_dma2 semaphore(%run_scoped3A : memref<!tpu.dma_semaphore, #tpu.memory_space<semaphore_mem>>) src(%arg6 : memref<120x128xf32, #tpu.memory_space<vmem>>) dst(%dma_wait3A_328 : memref<120x128xf32, #tpu.memory_space<hbm>>)
      tpu.yield
    }) : () -> ()
    %dma_wait3A_56 = arith.constant 3 : i32
    %dma_wait3A_57 = arith.constant 0 : i32
    %dma_wait3A_58 = tpu.memref_slice %arg5[%dma_wait3A_56, %dma_wait3A_57] : memref<20x120xi32, #tpu.memory_space<vmem>> -> memref<1x120xi32, #tpu.memory_space<vmem>>
    %dma_wait3A_59 = tpu.memref_squeeze %dma_wait3A_58 : memref<1x120xi32, #tpu.memory_space<vmem>> -> memref<120xi32, #tpu.memory_space<vmem>>
    %dma_wait3A_60 = arith.constant 0 : i32
    %dma_wait3A_61 = arith.constant 0 : i32
    %dma_wait3A_62 = tpu.memref_slice %arg2[%dma_wait3A_60, %dma_wait3A_61] : memref<6000x128xf32, #tpu.memory_space<hbm>> -> memref<6000x128xf32, #tpu.memory_space<hbm>>
    tpu.wait_indirect_dma semaphore(%arg9 : memref<!tpu.dma_semaphore, #tpu.memory_space<semaphore_mem>>) src(%dma_wait3A_62 : memref<6000x128xf32, #tpu.memory_space<hbm>>) dst(%arg7 : memref<120x128xf32, #tpu.memory_space<vmem>>)
    %dma_start3A_63 = arith.constant 4 : i32
    %dma_start3A_64 = arith.constant 0 : i32
    %dma_start3A_65 = tpu.memref_slice %arg5[%dma_start3A_63, %dma_start3A_64] : memref<20x120xi32, #tpu.memory_space<vmem>> -> memref<1x120xi32, #tpu.memory_space<vmem>>
    %dma_start3A_66 = tpu.memref_squeeze %dma_start3A_65 : memref<1x120xi32, #tpu.memory_space<vmem>> -> memref<120xi32, #tpu.memory_space<vmem>>
    %dma_start3A_67 = arith.constant 0 : i32
    %dma_start3A_68 = arith.constant 0 : i32
    %dma_start3A_69 = tpu.memref_slice %arg2[%dma_start3A_67, %dma_start3A_68] : memref<6000x128xf32, #tpu.memory_space<hbm>> -> memref<6000x128xf32, #tpu.memory_space<hbm>>
    tpu.enqueue_indirect_dma source(%dma_start3A_69 : memref<6000x128xf32, #tpu.memory_space<hbm>>) target(%arg6 : memref<120x128xf32, #tpu.memory_space<vmem>>) offsets(%dma_start3A_66 : memref<120xi32, #tpu.memory_space<vmem>>) semaphore(%arg8 : memref<!tpu.dma_semaphore, #tpu.memory_space<semaphore_mem>>)
    %add3A_70 = arith.constant 360 : i32
    %add3A_71 = arith.addi %mul3A_2, %add3A_70 : i32
    "tpu.region"() ({
      %run_scoped3A = tpu.sem_alloc : memref<!tpu.dma_semaphore, #tpu.memory_space<semaphore_mem>>
      %dma_start3A_321 = arith.constant 0 : i32
      %dma_start3A_322 = tpu.memref_slice %arg4[%add3A_71, %dma_start3A_321] : memref<76800x128xf32, #tpu.memory_space<hbm>> -> memref<120x128xf32, #tpu.memory_space<hbm>>
      %dma_start3A_323 = arith.constant 0 : i32
      %dma_start3A_324 = tpu.memref_slice %arg4[%add3A_71, %dma_start3A_323] : memref<76800x128xf32, #tpu.memory_space<hbm>> -> memref<120x128xf32, #tpu.memory_space<hbm>>
      tpu.enqueue_dma source(%arg7 : memref<120x128xf32, #tpu.memory_space<vmem>>) target(%dma_start3A_324 : memref<120x128xf32, #tpu.memory_space<hbm>>) target_semaphore(%run_scoped3A : memref<!tpu.dma_semaphore, #tpu.memory_space<semaphore_mem>>)
      %dma_wait3A_325 = arith.constant 0 : i32
      %dma_wait3A_326 = tpu.memref_slice %arg4[%add3A_71, %dma_wait3A_325] : memref<76800x128xf32, #tpu.memory_space<hbm>> -> memref<120x128xf32, #tpu.memory_space<hbm>>
      %dma_wait3A_327 = arith.constant 0 : i32
      %dma_wait3A_328 = tpu.memref_slice %arg4[%add3A_71, %dma_wait3A_327] : memref<76800x128xf32, #tpu.memory_space<hbm>> -> memref<120x128xf32, #tpu.memory_space<hbm>>
      tpu.wait_dma2 semaphore(%run_scoped3A : memref<!tpu.dma_semaphore, #tpu.memory_space<semaphore_mem>>) src(%arg7 : memref<120x128xf32, #tpu.memory_space<vmem>>) dst(%dma_wait3A_328 : memref<120x128xf32, #tpu.memory_space<hbm>>)
      tpu.yield
    }) : () -> ()
    %dma_wait3A_72 = arith.constant 4 : i32
    %dma_wait3A_73 = arith.constant 0 : i32
    %dma_wait3A_74 = tpu.memref_slice %arg5[%dma_wait3A_72, %dma_wait3A_73] : memref<20x120xi32, #tpu.memory_space<vmem>> -> memref<1x120xi32, #tpu.memory_space<vmem>>
    %dma_wait3A_75 = tpu.memref_squeeze %dma_wait3A_74 : memref<1x120xi32, #tpu.memory_space<vmem>> -> memref<120xi32, #tpu.memory_space<vmem>>
    %dma_wait3A_76 = arith.constant 0 : i32
    %dma_wait3A_77 = arith.constant 0 : i32
    %dma_wait3A_78 = tpu.memref_slice %arg2[%dma_wait3A_76, %dma_wait3A_77] : memref<6000x128xf32, #tpu.memory_space<hbm>> -> memref<6000x128xf32, #tpu.memory_space<hbm>>
    tpu.wait_indirect_dma semaphore(%arg8 : memref<!tpu.dma_semaphore, #tpu.memory_space<semaphore_mem>>) src(%dma_wait3A_78 : memref<6000x128xf32, #tpu.memory_space<hbm>>) dst(%arg6 : memref<120x128xf32, #tpu.memory_space<vmem>>)
    %dma_start3A_79 = arith.constant 5 : i32
    %dma_start3A_80 = arith.constant 0 : i32
    %dma_start3A_81 = tpu.memref_slice %arg5[%dma_start3A_79, %dma_start3A_80] : memref<20x120xi32, #tpu.memory_space<vmem>> -> memref<1x120xi32, #tpu.memory_space<vmem>>
    %dma_start3A_82 = tpu.memref_squeeze %dma_start3A_81 : memref<1x120xi32, #tpu.memory_space<vmem>> -> memref<120xi32, #tpu.memory_space<vmem>>
    %dma_start3A_83 = arith.constant 0 : i32
    %dma_start3A_84 = arith.constant 0 : i32
    %dma_start3A_85 = tpu.memref_slice %arg2[%dma_start3A_83, %dma_start3A_84] : memref<6000x128xf32, #tpu.memory_space<hbm>> -> memref<6000x128xf32, #tpu.memory_space<hbm>>
    tpu.enqueue_indirect_dma source(%dma_start3A_85 : memref<6000x128xf32, #tpu.memory_space<hbm>>) target(%arg7 : memref<120x128xf32, #tpu.memory_space<vmem>>) offsets(%dma_start3A_82 : memref<120xi32, #tpu.memory_space<vmem>>) semaphore(%arg9 : memref<!tpu.dma_semaphore, #tpu.memory_space<semaphore_mem>>)
    %add3A_86 = arith.constant 480 : i32
    %add3A_87 = arith.addi %mul3A_2, %add3A_86 : i32
    "tpu.region"() ({
      %run_scoped3A = tpu.sem_alloc : memref<!tpu.dma_semaphore, #tpu.memory_space<semaphore_mem>>
      %dma_start3A_321 = arith.constant 0 : i32
      %dma_start3A_322 = tpu.memref_slice %arg4[%add3A_87, %dma_start3A_321] : memref<76800x128xf32, #tpu.memory_space<hbm>> -> memref<120x128xf32, #tpu.memory_space<hbm>>
      %dma_start3A_323 = arith.constant 0 : i32
      %dma_start3A_324 = tpu.memref_slice %arg4[%add3A_87, %dma_start3A_323] : memref<76800x128xf32, #tpu.memory_space<hbm>> -> memref<120x128xf32, #tpu.memory_space<hbm>>
      tpu.enqueue_dma source(%arg6 : memref<120x128xf32, #tpu.memory_space<vmem>>) target(%dma_start3A_324 : memref<120x128xf32, #tpu.memory_space<hbm>>) target_semaphore(%run_scoped3A : memref<!tpu.dma_semaphore, #tpu.memory_space<semaphore_mem>>)
      %dma_wait3A_325 = arith.constant 0 : i32
      %dma_wait3A_326 = tpu.memref_slice %arg4[%add3A_87, %dma_wait3A_325] : memref<76800x128xf32, #tpu.memory_space<hbm>> -> memref<120x128xf32, #tpu.memory_space<hbm>>
      %dma_wait3A_327 = arith.constant 0 : i32
      %dma_wait3A_328 = tpu.memref_slice %arg4[%add3A_87, %dma_wait3A_327] : memref<76800x128xf32, #tpu.memory_space<hbm>> -> memref<120x128xf32, #tpu.memory_space<hbm>>
      tpu.wait_dma2 semaphore(%run_scoped3A : memref<!tpu.dma_semaphore, #tpu.memory_space<semaphore_mem>>) src(%arg6 : memref<120x128xf32, #tpu.memory_space<vmem>>) dst(%dma_wait3A_328 : memref<120x128xf32, #tpu.memory_space<hbm>>)
      tpu.yield
    }) : () -> ()
    %dma_wait3A_88 = arith.constant 5 : i32
    %dma_wait3A_89 = arith.constant 0 : i32
    %dma_wait3A_90 = tpu.memref_slice %arg5[%dma_wait3A_88, %dma_wait3A_89] : memref<20x120xi32, #tpu.memory_space<vmem>> -> memref<1x120xi32, #tpu.memory_space<vmem>>
    %dma_wait3A_91 = tpu.memref_squeeze %dma_wait3A_90 : memref<1x120xi32, #tpu.memory_space<vmem>> -> memref<120xi32, #tpu.memory_space<vmem>>
    %dma_wait3A_92 = arith.constant 0 : i32
    %dma_wait3A_93 = arith.constant 0 : i32
    %dma_wait3A_94 = tpu.memref_slice %arg2[%dma_wait3A_92, %dma_wait3A_93] : memref<6000x128xf32, #tpu.memory_space<hbm>> -> memref<6000x128xf32, #tpu.memory_space<hbm>>
    tpu.wait_indirect_dma semaphore(%arg9 : memref<!tpu.dma_semaphore, #tpu.memory_space<semaphore_mem>>) src(%dma_wait3A_94 : memref<6000x128xf32, #tpu.memory_space<hbm>>) dst(%arg7 : memref<120x128xf32, #tpu.memory_space<vmem>>)
    %dma_start3A_95 = arith.constant 6 : i32
    %dma_start3A_96 = arith.constant 0 : i32
    %dma_start3A_97 = tpu.memref_slice %arg5[%dma_start3A_95, %dma_start3A_96] : memref<20x120xi32, #tpu.memory_space<vmem>> -> memref<1x120xi32, #tpu.memory_space<vmem>>
    %dma_start3A_98 = tpu.memref_squeeze %dma_start3A_97 : memref<1x120xi32, #tpu.memory_space<vmem>> -> memref<120xi32, #tpu.memory_space<vmem>>
    %dma_start3A_99 = arith.constant 0 : i32
    %dma_start3A_100 = arith.constant 0 : i32
    %dma_start3A_101 = tpu.memref_slice %arg2[%dma_start3A_99, %dma_start3A_100] : memref<6000x128xf32, #tpu.memory_space<hbm>> -> memref<6000x128xf32, #tpu.memory_space<hbm>>
    tpu.enqueue_indirect_dma source(%dma_start3A_101 : memref<6000x128xf32, #tpu.memory_space<hbm>>) target(%arg6 : memref<120x128xf32, #tpu.memory_space<vmem>>) offsets(%dma_start3A_98 : memref<120xi32, #tpu.memory_space<vmem>>) semaphore(%arg8 : memref<!tpu.dma_semaphore, #tpu.memory_space<semaphore_mem>>)
    %add3A_102 = arith.constant 600 : i32
    %add3A_103 = arith.addi %mul3A_2, %add3A_102 : i32
    "tpu.region"() ({
      %run_scoped3A = tpu.sem_alloc : memref<!tpu.dma_semaphore, #tpu.memory_space<semaphore_mem>>
      %dma_start3A_321 = arith.constant 0 : i32
      %dma_start3A_322 = tpu.memref_slice %arg4[%add3A_103, %dma_start3A_321] : memref<76800x128xf32, #tpu.memory_space<hbm>> -> memref<120x128xf32, #tpu.memory_space<hbm>>
      %dma_start3A_323 = arith.constant 0 : i32
      %dma_start3A_324 = tpu.memref_slice %arg4[%add3A_103, %dma_start3A_323] : memref<76800x128xf32, #tpu.memory_space<hbm>> -> memref<120x128xf32, #tpu.memory_space<hbm>>
      tpu.enqueue_dma source(%arg7 : memref<120x128xf32, #tpu.memory_space<vmem>>) target(%dma_start3A_324 : memref<120x128xf32, #tpu.memory_space<hbm>>) target_semaphore(%run_scoped3A : memref<!tpu.dma_semaphore, #tpu.memory_space<semaphore_mem>>)
      %dma_wait3A_325 = arith.constant 0 : i32
      %dma_wait3A_326 = tpu.memref_slice %arg4[%add3A_103, %dma_wait3A_325] : memref<76800x128xf32, #tpu.memory_space<hbm>> -> memref<120x128xf32, #tpu.memory_space<hbm>>
      %dma_wait3A_327 = arith.constant 0 : i32
      %dma_wait3A_328 = tpu.memref_slice %arg4[%add3A_103, %dma_wait3A_327] : memref<76800x128xf32, #tpu.memory_space<hbm>> -> memref<120x128xf32, #tpu.memory_space<hbm>>
      tpu.wait_dma2 semaphore(%run_scoped3A : memref<!tpu.dma_semaphore, #tpu.memory_space<semaphore_mem>>) src(%arg7 : memref<120x128xf32, #tpu.memory_space<vmem>>) dst(%dma_wait3A_328 : memref<120x128xf32, #tpu.memory_space<hbm>>)
      tpu.yield
    }) : () -> ()
    %dma_wait3A_104 = arith.constant 6 : i32
    %dma_wait3A_105 = arith.constant 0 : i32
    %dma_wait3A_106 = tpu.memref_slice %arg5[%dma_wait3A_104, %dma_wait3A_105] : memref<20x120xi32, #tpu.memory_space<vmem>> -> memref<1x120xi32, #tpu.memory_space<vmem>>
    %dma_wait3A_107 = tpu.memref_squeeze %dma_wait3A_106 : memref<1x120xi32, #tpu.memory_space<vmem>> -> memref<120xi32, #tpu.memory_space<vmem>>
    %dma_wait3A_108 = arith.constant 0 : i32
    %dma_wait3A_109 = arith.constant 0 : i32
    %dma_wait3A_110 = tpu.memref_slice %arg2[%dma_wait3A_108, %dma_wait3A_109] : memref<6000x128xf32, #tpu.memory_space<hbm>> -> memref<6000x128xf32, #tpu.memory_space<hbm>>
    tpu.wait_indirect_dma semaphore(%arg8 : memref<!tpu.dma_semaphore, #tpu.memory_space<semaphore_mem>>) src(%dma_wait3A_110 : memref<6000x128xf32, #tpu.memory_space<hbm>>) dst(%arg6 : memref<120x128xf32, #tpu.memory_space<vmem>>)
    %dma_start3A_111 = arith.constant 7 : i32
    %dma_start3A_112 = arith.constant 0 : i32
    %dma_start3A_113 = tpu.memref_slice %arg5[%dma_start3A_111, %dma_start3A_112] : memref<20x120xi32, #tpu.memory_space<vmem>> -> memref<1x120xi32, #tpu.memory_space<vmem>>
    %dma_start3A_114 = tpu.memref_squeeze %dma_start3A_113 : memref<1x120xi32, #tpu.memory_space<vmem>> -> memref<120xi32, #tpu.memory_space<vmem>>
    %dma_start3A_115 = arith.constant 0 : i32
    %dma_start3A_116 = arith.constant 0 : i32
    %dma_start3A_117 = tpu.memref_slice %arg2[%dma_start3A_115, %dma_start3A_116] : memref<6000x128xf32, #tpu.memory_space<hbm>> -> memref<6000x128xf32, #tpu.memory_space<hbm>>
    tpu.enqueue_indirect_dma source(%dma_start3A_117 : memref<6000x128xf32, #tpu.memory_space<hbm>>) target(%arg7 : memref<120x128xf32, #tpu.memory_space<vmem>>) offsets(%dma_start3A_114 : memref<120xi32, #tpu.memory_space<vmem>>) semaphore(%arg9 : memref<!tpu.dma_semaphore, #tpu.memory_space<semaphore_mem>>)
    %add3A_118 = arith.constant 720 : i32
    %add3A_119 = arith.addi %mul3A_2, %add3A_118 : i32
    "tpu.region"() ({
      %run_scoped3A = tpu.sem_alloc : memref<!tpu.dma_semaphore, #tpu.memory_space<semaphore_mem>>
      %dma_start3A_321 = arith.constant 0 : i32
      %dma_start3A_322 = tpu.memref_slice %arg4[%add3A_119, %dma_start3A_321] : memref<76800x128xf32, #tpu.memory_space<hbm>> -> memref<120x128xf32, #tpu.memory_space<hbm>>
      %dma_start3A_323 = arith.constant 0 : i32
      %dma_start3A_324 = tpu.memref_slice %arg4[%add3A_119, %dma_start3A_323] : memref<76800x128xf32, #tpu.memory_space<hbm>> -> memref<120x128xf32, #tpu.memory_space<hbm>>
      tpu.enqueue_dma source(%arg6 : memref<120x128xf32, #tpu.memory_space<vmem>>) target(%dma_start3A_324 : memref<120x128xf32, #tpu.memory_space<hbm>>) target_semaphore(%run_scoped3A : memref<!tpu.dma_semaphore, #tpu.memory_space<semaphore_mem>>)
      %dma_wait3A_325 = arith.constant 0 : i32
      %dma_wait3A_326 = tpu.memref_slice %arg4[%add3A_119, %dma_wait3A_325] : memref<76800x128xf32, #tpu.memory_space<hbm>> -> memref<120x128xf32, #tpu.memory_space<hbm>>
      %dma_wait3A_327 = arith.constant 0 : i32
      %dma_wait3A_328 = tpu.memref_slice %arg4[%add3A_119, %dma_wait3A_327] : memref<76800x128xf32, #tpu.memory_space<hbm>> -> memref<120x128xf32, #tpu.memory_space<hbm>>
      tpu.wait_dma2 semaphore(%run_scoped3A : memref<!tpu.dma_semaphore, #tpu.memory_space<semaphore_mem>>) src(%arg6 : memref<120x128xf32, #tpu.memory_space<vmem>>) dst(%dma_wait3A_328 : memref<120x128xf32, #tpu.memory_space<hbm>>)
      tpu.yield
    }) : () -> ()
    %dma_wait3A_120 = arith.constant 7 : i32
    %dma_wait3A_121 = arith.constant 0 : i32
    %dma_wait3A_122 = tpu.memref_slice %arg5[%dma_wait3A_120, %dma_wait3A_121] : memref<20x120xi32, #tpu.memory_space<vmem>> -> memref<1x120xi32, #tpu.memory_space<vmem>>
    %dma_wait3A_123 = tpu.memref_squeeze %dma_wait3A_122 : memref<1x120xi32, #tpu.memory_space<vmem>> -> memref<120xi32, #tpu.memory_space<vmem>>
    %dma_wait3A_124 = arith.constant 0 : i32
    %dma_wait3A_125 = arith.constant 0 : i32
    %dma_wait3A_126 = tpu.memref_slice %arg2[%dma_wait3A_124, %dma_wait3A_125] : memref<6000x128xf32, #tpu.memory_space<hbm>> -> memref<6000x128xf32, #tpu.memory_space<hbm>>
    tpu.wait_indirect_dma semaphore(%arg9 : memref<!tpu.dma_semaphore, #tpu.memory_space<semaphore_mem>>) src(%dma_wait3A_126 : memref<6000x128xf32, #tpu.memory_space<hbm>>) dst(%arg7 : memref<120x128xf32, #tpu.memory_space<vmem>>)
    %dma_start3A_127 = arith.constant 8 : i32
    %dma_start3A_128 = arith.constant 0 : i32
    %dma_start3A_129 = tpu.memref_slice %arg5[%dma_start3A_127, %dma_start3A_128] : memref<20x120xi32, #tpu.memory_space<vmem>> -> memref<1x120xi32, #tpu.memory_space<vmem>>
    %dma_start3A_130 = tpu.memref_squeeze %dma_start3A_129 : memref<1x120xi32, #tpu.memory_space<vmem>> -> memref<120xi32, #tpu.memory_space<vmem>>
    %dma_start3A_131 = arith.constant 0 : i32
    %dma_start3A_132 = arith.constant 0 : i32
    %dma_start3A_133 = tpu.memref_slice %arg2[%dma_start3A_131, %dma_start3A_132] : memref<6000x128xf32, #tpu.memory_space<hbm>> -> memref<6000x128xf32, #tpu.memory_space<hbm>>
    tpu.enqueue_indirect_dma source(%dma_start3A_133 : memref<6000x128xf32, #tpu.memory_space<hbm>>) target(%arg6 : memref<120x128xf32, #tpu.memory_space<vmem>>) offsets(%dma_start3A_130 : memref<120xi32, #tpu.memory_space<vmem>>) semaphore(%arg8 : memref<!tpu.dma_semaphore, #tpu.memory_space<semaphore_mem>>)
    %add3A_134 = arith.constant 840 : i32
    %add3A_135 = arith.addi %mul3A_2, %add3A_134 : i32
    "tpu.region"() ({
      %run_scoped3A = tpu.sem_alloc : memref<!tpu.dma_semaphore, #tpu.memory_space<semaphore_mem>>
      %dma_start3A_321 = arith.constant 0 : i32
      %dma_start3A_322 = tpu.memref_slice %arg4[%add3A_135, %dma_start3A_321] : memref<76800x128xf32, #tpu.memory_space<hbm>> -> memref<120x128xf32, #tpu.memory_space<hbm>>
      %dma_start3A_323 = arith.constant 0 : i32
      %dma_start3A_324 = tpu.memref_slice %arg4[%add3A_135, %dma_start3A_323] : memref<76800x128xf32, #tpu.memory_space<hbm>> -> memref<120x128xf32, #tpu.memory_space<hbm>>
      tpu.enqueue_dma source(%arg7 : memref<120x128xf32, #tpu.memory_space<vmem>>) target(%dma_start3A_324 : memref<120x128xf32, #tpu.memory_space<hbm>>) target_semaphore(%run_scoped3A : memref<!tpu.dma_semaphore, #tpu.memory_space<semaphore_mem>>)
      %dma_wait3A_325 = arith.constant 0 : i32
      %dma_wait3A_326 = tpu.memref_slice %arg4[%add3A_135, %dma_wait3A_325] : memref<76800x128xf32, #tpu.memory_space<hbm>> -> memref<120x128xf32, #tpu.memory_space<hbm>>
      %dma_wait3A_327 = arith.constant 0 : i32
      %dma_wait3A_328 = tpu.memref_slice %arg4[%add3A_135, %dma_wait3A_327] : memref<76800x128xf32, #tpu.memory_space<hbm>> -> memref<120x128xf32, #tpu.memory_space<hbm>>
      tpu.wait_dma2 semaphore(%run_scoped3A : memref<!tpu.dma_semaphore, #tpu.memory_space<semaphore_mem>>) src(%arg7 : memref<120x128xf32, #tpu.memory_space<vmem>>) dst(%dma_wait3A_328 : memref<120x128xf32, #tpu.memory_space<hbm>>)
      tpu.yield
    }) : () -> ()
    %dma_wait3A_136 = arith.constant 8 : i32
    %dma_wait3A_137 = arith.constant 0 : i32
    %dma_wait3A_138 = tpu.memref_slice %arg5[%dma_wait3A_136, %dma_wait3A_137] : memref<20x120xi32, #tpu.memory_space<vmem>> -> memref<1x120xi32, #tpu.memory_space<vmem>>
    %dma_wait3A_139 = tpu.memref_squeeze %dma_wait3A_138 : memref<1x120xi32, #tpu.memory_space<vmem>> -> memref<120xi32, #tpu.memory_space<vmem>>
    %dma_wait3A_140 = arith.constant 0 : i32
    %dma_wait3A_141 = arith.constant 0 : i32
    %dma_wait3A_142 = tpu.memref_slice %arg2[%dma_wait3A_140, %dma_wait3A_141] : memref<6000x128xf32, #tpu.memory_space<hbm>> -> memref<6000x128xf32, #tpu.memory_space<hbm>>
    tpu.wait_indirect_dma semaphore(%arg8 : memref<!tpu.dma_semaphore, #tpu.memory_space<semaphore_mem>>) src(%dma_wait3A_142 : memref<6000x128xf32, #tpu.memory_space<hbm>>) dst(%arg6 : memref<120x128xf32, #tpu.memory_space<vmem>>)
    %dma_start3A_143 = arith.constant 9 : i32
    %dma_start3A_144 = arith.constant 0 : i32
    %dma_start3A_145 = tpu.memref_slice %arg5[%dma_start3A_143, %dma_start3A_144] : memref<20x120xi32, #tpu.memory_space<vmem>> -> memref<1x120xi32, #tpu.memory_space<vmem>>
    %dma_start3A_146 = tpu.memref_squeeze %dma_start3A_145 : memref<1x120xi32, #tpu.memory_space<vmem>> -> memref<120xi32, #tpu.memory_space<vmem>>
    %dma_start3A_147 = arith.constant 0 : i32
    %dma_start3A_148 = arith.constant 0 : i32
    %dma_start3A_149 = tpu.memref_slice %arg2[%dma_start3A_147, %dma_start3A_148] : memref<6000x128xf32, #tpu.memory_space<hbm>> -> memref<6000x128xf32, #tpu.memory_space<hbm>>
    tpu.enqueue_indirect_dma source(%dma_start3A_149 : memref<6000x128xf32, #tpu.memory_space<hbm>>) target(%arg7 : memref<120x128xf32, #tpu.memory_space<vmem>>) offsets(%dma_start3A_146 : memref<120xi32, #tpu.memory_space<vmem>>) semaphore(%arg9 : memref<!tpu.dma_semaphore, #tpu.memory_space<semaphore_mem>>)
    %add3A_150 = arith.constant 960 : i32
    %add3A_151 = arith.addi %mul3A_2, %add3A_150 : i32
    "tpu.region"() ({
      %run_scoped3A = tpu.sem_alloc : memref<!tpu.dma_semaphore, #tpu.memory_space<semaphore_mem>>
      %dma_start3A_321 = arith.constant 0 : i32
      %dma_start3A_322 = tpu.memref_slice %arg4[%add3A_151, %dma_start3A_321] : memref<76800x128xf32, #tpu.memory_space<hbm>> -> memref<120x128xf32, #tpu.memory_space<hbm>>
      %dma_start3A_323 = arith.constant 0 : i32
      %dma_start3A_324 = tpu.memref_slice %arg4[%add3A_151, %dma_start3A_323] : memref<76800x128xf32, #tpu.memory_space<hbm>> -> memref<120x128xf32, #tpu.memory_space<hbm>>
      tpu.enqueue_dma source(%arg6 : memref<120x128xf32, #tpu.memory_space<vmem>>) target(%dma_start3A_324 : memref<120x128xf32, #tpu.memory_space<hbm>>) target_semaphore(%run_scoped3A : memref<!tpu.dma_semaphore, #tpu.memory_space<semaphore_mem>>)
      %dma_wait3A_325 = arith.constant 0 : i32
      %dma_wait3A_326 = tpu.memref_slice %arg4[%add3A_151, %dma_wait3A_325] : memref<76800x128xf32, #tpu.memory_space<hbm>> -> memref<120x128xf32, #tpu.memory_space<hbm>>
      %dma_wait3A_327 = arith.constant 0 : i32
      %dma_wait3A_328 = tpu.memref_slice %arg4[%add3A_151, %dma_wait3A_327] : memref<76800x128xf32, #tpu.memory_space<hbm>> -> memref<120x128xf32, #tpu.memory_space<hbm>>
      tpu.wait_dma2 semaphore(%run_scoped3A : memref<!tpu.dma_semaphore, #tpu.memory_space<semaphore_mem>>) src(%arg6 : memref<120x128xf32, #tpu.memory_space<vmem>>) dst(%dma_wait3A_328 : memref<120x128xf32, #tpu.memory_space<hbm>>)
      tpu.yield
    }) : () -> ()
    %dma_wait3A_152 = arith.constant 9 : i32
    %dma_wait3A_153 = arith.constant 0 : i32
    %dma_wait3A_154 = tpu.memref_slice %arg5[%dma_wait3A_152, %dma_wait3A_153] : memref<20x120xi32, #tpu.memory_space<vmem>> -> memref<1x120xi32, #tpu.memory_space<vmem>>
    %dma_wait3A_155 = tpu.memref_squeeze %dma_wait3A_154 : memref<1x120xi32, #tpu.memory_space<vmem>> -> memref<120xi32, #tpu.memory_space<vmem>>
    %dma_wait3A_156 = arith.constant 0 : i32
    %dma_wait3A_157 = arith.constant 0 : i32
    %dma_wait3A_158 = tpu.memref_slice %arg2[%dma_wait3A_156, %dma_wait3A_157] : memref<6000x128xf32, #tpu.memory_space<hbm>> -> memref<6000x128xf32, #tpu.memory_space<hbm>>
    tpu.wait_indirect_dma semaphore(%arg9 : memref<!tpu.dma_semaphore, #tpu.memory_space<semaphore_mem>>) src(%dma_wait3A_158 : memref<6000x128xf32, #tpu.memory_space<hbm>>) dst(%arg7 : memref<120x128xf32, #tpu.memory_space<vmem>>)
    %dma_start3A_159 = arith.constant 10 : i32
    %dma_start3A_160 = arith.constant 0 : i32
    %dma_start3A_161 = tpu.memref_slice %arg5[%dma_start3A_159, %dma_start3A_160] : memref<20x120xi32, #tpu.memory_space<vmem>> -> memref<1x120xi32, #tpu.memory_space<vmem>>
    %dma_start3A_162 = tpu.memref_squeeze %dma_start3A_161 : memref<1x120xi32, #tpu.memory_space<vmem>> -> memref<120xi32, #tpu.memory_space<vmem>>
    %dma_start3A_163 = arith.constant 0 : i32
    %dma_start3A_164 = arith.constant 0 : i32
    %dma_start3A_165 = tpu.memref_slice %arg2[%dma_start3A_163, %dma_start3A_164] : memref<6000x128xf32, #tpu.memory_space<hbm>> -> memref<6000x128xf32, #tpu.memory_space<hbm>>
    tpu.enqueue_indirect_dma source(%dma_start3A_165 : memref<6000x128xf32, #tpu.memory_space<hbm>>) target(%arg6 : memref<120x128xf32, #tpu.memory_space<vmem>>) offsets(%dma_start3A_162 : memref<120xi32, #tpu.memory_space<vmem>>) semaphore(%arg8 : memref<!tpu.dma_semaphore, #tpu.memory_space<semaphore_mem>>)
    %add3A_166 = arith.constant 1080 : i32
    %add3A_167 = arith.addi %mul3A_2, %add3A_166 : i32
    "tpu.region"() ({
      %run_scoped3A = tpu.sem_alloc : memref<!tpu.dma_semaphore, #tpu.memory_space<semaphore_mem>>
      %dma_start3A_321 = arith.constant 0 : i32
      %dma_start3A_322 = tpu.memref_slice %arg4[%add3A_167, %dma_start3A_321] : memref<76800x128xf32, #tpu.memory_space<hbm>> -> memref<120x128xf32, #tpu.memory_space<hbm>>
      %dma_start3A_323 = arith.constant 0 : i32
      %dma_start3A_324 = tpu.memref_slice %arg4[%add3A_167, %dma_start3A_323] : memref<76800x128xf32, #tpu.memory_space<hbm>> -> memref<120x128xf32, #tpu.memory_space<hbm>>
      tpu.enqueue_dma source(%arg7 : memref<120x128xf32, #tpu.memory_space<vmem>>) target(%dma_start3A_324 : memref<120x128xf32, #tpu.memory_space<hbm>>) target_semaphore(%run_scoped3A : memref<!tpu.dma_semaphore, #tpu.memory_space<semaphore_mem>>)
      %dma_wait3A_325 = arith.constant 0 : i32
      %dma_wait3A_326 = tpu.memref_slice %arg4[%add3A_167, %dma_wait3A_325] : memref<76800x128xf32, #tpu.memory_space<hbm>> -> memref<120x128xf32, #tpu.memory_space<hbm>>
      %dma_wait3A_327 = arith.constant 0 : i32
      %dma_wait3A_328 = tpu.memref_slice %arg4[%add3A_167, %dma_wait3A_327] : memref<76800x128xf32, #tpu.memory_space<hbm>> -> memref<120x128xf32, #tpu.memory_space<hbm>>
      tpu.wait_dma2 semaphore(%run_scoped3A : memref<!tpu.dma_semaphore, #tpu.memory_space<semaphore_mem>>) src(%arg7 : memref<120x128xf32, #tpu.memory_space<vmem>>) dst(%dma_wait3A_328 : memref<120x128xf32, #tpu.memory_space<hbm>>)
      tpu.yield
    }) : () -> ()
    %dma_wait3A_168 = arith.constant 10 : i32
    %dma_wait3A_169 = arith.constant 0 : i32
    %dma_wait3A_170 = tpu.memref_slice %arg5[%dma_wait3A_168, %dma_wait3A_169] : memref<20x120xi32, #tpu.memory_space<vmem>> -> memref<1x120xi32, #tpu.memory_space<vmem>>
    %dma_wait3A_171 = tpu.memref_squeeze %dma_wait3A_170 : memref<1x120xi32, #tpu.memory_space<vmem>> -> memref<120xi32, #tpu.memory_space<vmem>>
    %dma_wait3A_172 = arith.constant 0 : i32
    %dma_wait3A_173 = arith.constant 0 : i32
    %dma_wait3A_174 = tpu.memref_slice %arg2[%dma_wait3A_172, %dma_wait3A_173] : memref<6000x128xf32, #tpu.memory_space<hbm>> -> memref<6000x128xf32, #tpu.memory_space<hbm>>
    tpu.wait_indirect_dma semaphore(%arg8 : memref<!tpu.dma_semaphore, #tpu.memory_space<semaphore_mem>>) src(%dma_wait3A_174 : memref<6000x128xf32, #tpu.memory_space<hbm>>) dst(%arg6 : memref<120x128xf32, #tpu.memory_space<vmem>>)
    %dma_start3A_175 = arith.constant 11 : i32
    %dma_start3A_176 = arith.constant 0 : i32
    %dma_start3A_177 = tpu.memref_slice %arg5[%dma_start3A_175, %dma_start3A_176] : memref<20x120xi32, #tpu.memory_space<vmem>> -> memref<1x120xi32, #tpu.memory_space<vmem>>
    %dma_start3A_178 = tpu.memref_squeeze %dma_start3A_177 : memref<1x120xi32, #tpu.memory_space<vmem>> -> memref<120xi32, #tpu.memory_space<vmem>>
    %dma_start3A_179 = arith.constant 0 : i32
    %dma_start3A_180 = arith.constant 0 : i32
    %dma_start3A_181 = tpu.memref_slice %arg2[%dma_start3A_179, %dma_start3A_180] : memref<6000x128xf32, #tpu.memory_space<hbm>> -> memref<6000x128xf32, #tpu.memory_space<hbm>>
    tpu.enqueue_indirect_dma source(%dma_start3A_181 : memref<6000x128xf32, #tpu.memory_space<hbm>>) target(%arg7 : memref<120x128xf32, #tpu.memory_space<vmem>>) offsets(%dma_start3A_178 : memref<120xi32, #tpu.memory_space<vmem>>) semaphore(%arg9 : memref<!tpu.dma_semaphore, #tpu.memory_space<semaphore_mem>>)
    %add3A_182 = arith.constant 1200 : i32
    %add3A_183 = arith.addi %mul3A_2, %add3A_182 : i32
    "tpu.region"() ({
      %run_scoped3A = tpu.sem_alloc : memref<!tpu.dma_semaphore, #tpu.memory_space<semaphore_mem>>
      %dma_start3A_321 = arith.constant 0 : i32
      %dma_start3A_322 = tpu.memref_slice %arg4[%add3A_183, %dma_start3A_321] : memref<76800x128xf32, #tpu.memory_space<hbm>> -> memref<120x128xf32, #tpu.memory_space<hbm>>
      %dma_start3A_323 = arith.constant 0 : i32
      %dma_start3A_324 = tpu.memref_slice %arg4[%add3A_183, %dma_start3A_323] : memref<76800x128xf32, #tpu.memory_space<hbm>> -> memref<120x128xf32, #tpu.memory_space<hbm>>
      tpu.enqueue_dma source(%arg6 : memref<120x128xf32, #tpu.memory_space<vmem>>) target(%dma_start3A_324 : memref<120x128xf32, #tpu.memory_space<hbm>>) target_semaphore(%run_scoped3A : memref<!tpu.dma_semaphore, #tpu.memory_space<semaphore_mem>>)
      %dma_wait3A_325 = arith.constant 0 : i32
      %dma_wait3A_326 = tpu.memref_slice %arg4[%add3A_183, %dma_wait3A_325] : memref<76800x128xf32, #tpu.memory_space<hbm>> -> memref<120x128xf32, #tpu.memory_space<hbm>>
      %dma_wait3A_327 = arith.constant 0 : i32
      %dma_wait3A_328 = tpu.memref_slice %arg4[%add3A_183, %dma_wait3A_327] : memref<76800x128xf32, #tpu.memory_space<hbm>> -> memref<120x128xf32, #tpu.memory_space<hbm>>
      tpu.wait_dma2 semaphore(%run_scoped3A : memref<!tpu.dma_semaphore, #tpu.memory_space<semaphore_mem>>) src(%arg6 : memref<120x128xf32, #tpu.memory_space<vmem>>) dst(%dma_wait3A_328 : memref<120x128xf32, #tpu.memory_space<hbm>>)
      tpu.yield
    }) : () -> ()
    %dma_wait3A_184 = arith.constant 11 : i32
    %dma_wait3A_185 = arith.constant 0 : i32
    %dma_wait3A_186 = tpu.memref_slice %arg5[%dma_wait3A_184, %dma_wait3A_185] : memref<20x120xi32, #tpu.memory_space<vmem>> -> memref<1x120xi32, #tpu.memory_space<vmem>>
    %dma_wait3A_187 = tpu.memref_squeeze %dma_wait3A_186 : memref<1x120xi32, #tpu.memory_space<vmem>> -> memref<120xi32, #tpu.memory_space<vmem>>
    %dma_wait3A_188 = arith.constant 0 : i32
    %dma_wait3A_189 = arith.constant 0 : i32
    %dma_wait3A_190 = tpu.memref_slice %arg2[%dma_wait3A_188, %dma_wait3A_189] : memref<6000x128xf32, #tpu.memory_space<hbm>> -> memref<6000x128xf32, #tpu.memory_space<hbm>>
    tpu.wait_indirect_dma semaphore(%arg9 : memref<!tpu.dma_semaphore, #tpu.memory_space<semaphore_mem>>) src(%dma_wait3A_190 : memref<6000x128xf32, #tpu.memory_space<hbm>>) dst(%arg7 : memref<120x128xf32, #tpu.memory_space<vmem>>)
    %dma_start3A_191 = arith.constant 12 : i32
    %dma_start3A_192 = arith.constant 0 : i32
    %dma_start3A_193 = tpu.memref_slice %arg5[%dma_start3A_191, %dma_start3A_192] : memref<20x120xi32, #tpu.memory_space<vmem>> -> memref<1x120xi32, #tpu.memory_space<vmem>>
    %dma_start3A_194 = tpu.memref_squeeze %dma_start3A_193 : memref<1x120xi32, #tpu.memory_space<vmem>> -> memref<120xi32, #tpu.memory_space<vmem>>
    %dma_start3A_195 = arith.constant 0 : i32
    %dma_start3A_196 = arith.constant 0 : i32
    %dma_start3A_197 = tpu.memref_slice %arg2[%dma_start3A_195, %dma_start3A_196] : memref<6000x128xf32, #tpu.memory_space<hbm>> -> memref<6000x128xf32, #tpu.memory_space<hbm>>
    tpu.enqueue_indirect_dma source(%dma_start3A_197 : memref<6000x128xf32, #tpu.memory_space<hbm>>) target(%arg6 : memref<120x128xf32, #tpu.memory_space<vmem>>) offsets(%dma_start3A_194 : memref<120xi32, #tpu.memory_space<vmem>>) semaphore(%arg8 : memref<!tpu.dma_semaphore, #tpu.memory_space<semaphore_mem>>)
    %add3A_198 = arith.constant 1320 : i32
    %add3A_199 = arith.addi %mul3A_2, %add3A_198 : i32
    "tpu.region"() ({
      %run_scoped3A = tpu.sem_alloc : memref<!tpu.dma_semaphore, #tpu.memory_space<semaphore_mem>>
      %dma_start3A_321 = arith.constant 0 : i32
      %dma_start3A_322 = tpu.memref_slice %arg4[%add3A_199, %dma_start3A_321] : memref<76800x128xf32, #tpu.memory_space<hbm>> -> memref<120x128xf32, #tpu.memory_space<hbm>>
      %dma_start3A_323 = arith.constant 0 : i32
      %dma_start3A_324 = tpu.memref_slice %arg4[%add3A_199, %dma_start3A_323] : memref<76800x128xf32, #tpu.memory_space<hbm>> -> memref<120x128xf32, #tpu.memory_space<hbm>>
      tpu.enqueue_dma source(%arg7 : memref<120x128xf32, #tpu.memory_space<vmem>>) target(%dma_start3A_324 : memref<120x128xf32, #tpu.memory_space<hbm>>) target_semaphore(%run_scoped3A : memref<!tpu.dma_semaphore, #tpu.memory_space<semaphore_mem>>)
      %dma_wait3A_325 = arith.constant 0 : i32
      %dma_wait3A_326 = tpu.memref_slice %arg4[%add3A_199, %dma_wait3A_325] : memref<76800x128xf32, #tpu.memory_space<hbm>> -> memref<120x128xf32, #tpu.memory_space<hbm>>
      %dma_wait3A_327 = arith.constant 0 : i32
      %dma_wait3A_328 = tpu.memref_slice %arg4[%add3A_199, %dma_wait3A_327] : memref<76800x128xf32, #tpu.memory_space<hbm>> -> memref<120x128xf32, #tpu.memory_space<hbm>>
      tpu.wait_dma2 semaphore(%run_scoped3A : memref<!tpu.dma_semaphore, #tpu.memory_space<semaphore_mem>>) src(%arg7 : memref<120x128xf32, #tpu.memory_space<vmem>>) dst(%dma_wait3A_328 : memref<120x128xf32, #tpu.memory_space<hbm>>)
      tpu.yield
    }) : () -> ()
    %dma_wait3A_200 = arith.constant 12 : i32
    %dma_wait3A_201 = arith.constant 0 : i32
    %dma_wait3A_202 = tpu.memref_slice %arg5[%dma_wait3A_200, %dma_wait3A_201] : memref<20x120xi32, #tpu.memory_space<vmem>> -> memref<1x120xi32, #tpu.memory_space<vmem>>
    %dma_wait3A_203 = tpu.memref_squeeze %dma_wait3A_202 : memref<1x120xi32, #tpu.memory_space<vmem>> -> memref<120xi32, #tpu.memory_space<vmem>>
    %dma_wait3A_204 = arith.constant 0 : i32
    %dma_wait3A_205 = arith.constant 0 : i32
    %dma_wait3A_206 = tpu.memref_slice %arg2[%dma_wait3A_204, %dma_wait3A_205] : memref<6000x128xf32, #tpu.memory_space<hbm>> -> memref<6000x128xf32, #tpu.memory_space<hbm>>
    tpu.wait_indirect_dma semaphore(%arg8 : memref<!tpu.dma_semaphore, #tpu.memory_space<semaphore_mem>>) src(%dma_wait3A_206 : memref<6000x128xf32, #tpu.memory_space<hbm>>) dst(%arg6 : memref<120x128xf32, #tpu.memory_space<vmem>>)
    %dma_start3A_207 = arith.constant 13 : i32
    %dma_start3A_208 = arith.constant 0 : i32
    %dma_start3A_209 = tpu.memref_slice %arg5[%dma_start3A_207, %dma_start3A_208] : memref<20x120xi32, #tpu.memory_space<vmem>> -> memref<1x120xi32, #tpu.memory_space<vmem>>
    %dma_start3A_210 = tpu.memref_squeeze %dma_start3A_209 : memref<1x120xi32, #tpu.memory_space<vmem>> -> memref<120xi32, #tpu.memory_space<vmem>>
    %dma_start3A_211 = arith.constant 0 : i32
    %dma_start3A_212 = arith.constant 0 : i32
    %dma_start3A_213 = tpu.memref_slice %arg2[%dma_start3A_211, %dma_start3A_212] : memref<6000x128xf32, #tpu.memory_space<hbm>> -> memref<6000x128xf32, #tpu.memory_space<hbm>>
    tpu.enqueue_indirect_dma source(%dma_start3A_213 : memref<6000x128xf32, #tpu.memory_space<hbm>>) target(%arg7 : memref<120x128xf32, #tpu.memory_space<vmem>>) offsets(%dma_start3A_210 : memref<120xi32, #tpu.memory_space<vmem>>) semaphore(%arg9 : memref<!tpu.dma_semaphore, #tpu.memory_space<semaphore_mem>>)
    %add3A_214 = arith.constant 1440 : i32
    %add3A_215 = arith.addi %mul3A_2, %add3A_214 : i32
    "tpu.region"() ({
      %run_scoped3A = tpu.sem_alloc : memref<!tpu.dma_semaphore, #tpu.memory_space<semaphore_mem>>
      %dma_start3A_321 = arith.constant 0 : i32
      %dma_start3A_322 = tpu.memref_slice %arg4[%add3A_215, %dma_start3A_321] : memref<76800x128xf32, #tpu.memory_space<hbm>> -> memref<120x128xf32, #tpu.memory_space<hbm>>
      %dma_start3A_323 = arith.constant 0 : i32
      %dma_start3A_324 = tpu.memref_slice %arg4[%add3A_215, %dma_start3A_323] : memref<76800x128xf32, #tpu.memory_space<hbm>> -> memref<120x128xf32, #tpu.memory_space<hbm>>
      tpu.enqueue_dma source(%arg6 : memref<120x128xf32, #tpu.memory_space<vmem>>) target(%dma_start3A_324 : memref<120x128xf32, #tpu.memory_space<hbm>>) target_semaphore(%run_scoped3A : memref<!tpu.dma_semaphore, #tpu.memory_space<semaphore_mem>>)
      %dma_wait3A_325 = arith.constant 0 : i32
      %dma_wait3A_326 = tpu.memref_slice %arg4[%add3A_215, %dma_wait3A_325] : memref<76800x128xf32, #tpu.memory_space<hbm>> -> memref<120x128xf32, #tpu.memory_space<hbm>>
      %dma_wait3A_327 = arith.constant 0 : i32
      %dma_wait3A_328 = tpu.memref_slice %arg4[%add3A_215, %dma_wait3A_327] : memref<76800x128xf32, #tpu.memory_space<hbm>> -> memref<120x128xf32, #tpu.memory_space<hbm>>
      tpu.wait_dma2 semaphore(%run_scoped3A : memref<!tpu.dma_semaphore, #tpu.memory_space<semaphore_mem>>) src(%arg6 : memref<120x128xf32, #tpu.memory_space<vmem>>) dst(%dma_wait3A_328 : memref<120x128xf32, #tpu.memory_space<hbm>>)
      tpu.yield
    }) : () -> ()
    %dma_wait3A_216 = arith.constant 13 : i32
    %dma_wait3A_217 = arith.constant 0 : i32
    %dma_wait3A_218 = tpu.memref_slice %arg5[%dma_wait3A_216, %dma_wait3A_217] : memref<20x120xi32, #tpu.memory_space<vmem>> -> memref<1x120xi32, #tpu.memory_space<vmem>>
    %dma_wait3A_219 = tpu.memref_squeeze %dma_wait3A_218 : memref<1x120xi32, #tpu.memory_space<vmem>> -> memref<120xi32, #tpu.memory_space<vmem>>
    %dma_wait3A_220 = arith.constant 0 : i32
    %dma_wait3A_221 = arith.constant 0 : i32
    %dma_wait3A_222 = tpu.memref_slice %arg2[%dma_wait3A_220, %dma_wait3A_221] : memref<6000x128xf32, #tpu.memory_space<hbm>> -> memref<6000x128xf32, #tpu.memory_space<hbm>>
    tpu.wait_indirect_dma semaphore(%arg9 : memref<!tpu.dma_semaphore, #tpu.memory_space<semaphore_mem>>) src(%dma_wait3A_222 : memref<6000x128xf32, #tpu.memory_space<hbm>>) dst(%arg7 : memref<120x128xf32, #tpu.memory_space<vmem>>)
    %dma_start3A_223 = arith.constant 14 : i32
    %dma_start3A_224 = arith.constant 0 : i32
    %dma_start3A_225 = tpu.memref_slice %arg5[%dma_start3A_223, %dma_start3A_224] : memref<20x120xi32, #tpu.memory_space<vmem>> -> memref<1x120xi32, #tpu.memory_space<vmem>>
    %dma_start3A_226 = tpu.memref_squeeze %dma_start3A_225 : memref<1x120xi32, #tpu.memory_space<vmem>> -> memref<120xi32, #tpu.memory_space<vmem>>
    %dma_start3A_227 = arith.constant 0 : i32
    %dma_start3A_228 = arith.constant 0 : i32
    %dma_start3A_229 = tpu.memref_slice %arg2[%dma_start3A_227, %dma_start3A_228] : memref<6000x128xf32, #tpu.memory_space<hbm>> -> memref<6000x128xf32, #tpu.memory_space<hbm>>
    tpu.enqueue_indirect_dma source(%dma_start3A_229 : memref<6000x128xf32, #tpu.memory_space<hbm>>) target(%arg6 : memref<120x128xf32, #tpu.memory_space<vmem>>) offsets(%dma_start3A_226 : memref<120xi32, #tpu.memory_space<vmem>>) semaphore(%arg8 : memref<!tpu.dma_semaphore, #tpu.memory_space<semaphore_mem>>)
    %add3A_230 = arith.constant 1560 : i32
    %add3A_231 = arith.addi %mul3A_2, %add3A_230 : i32
    "tpu.region"() ({
      %run_scoped3A = tpu.sem_alloc : memref<!tpu.dma_semaphore, #tpu.memory_space<semaphore_mem>>
      %dma_start3A_321 = arith.constant 0 : i32
      %dma_start3A_322 = tpu.memref_slice %arg4[%add3A_231, %dma_start3A_321] : memref<76800x128xf32, #tpu.memory_space<hbm>> -> memref<120x128xf32, #tpu.memory_space<hbm>>
      %dma_start3A_323 = arith.constant 0 : i32
      %dma_start3A_324 = tpu.memref_slice %arg4[%add3A_231, %dma_start3A_323] : memref<76800x128xf32, #tpu.memory_space<hbm>> -> memref<120x128xf32, #tpu.memory_space<hbm>>
      tpu.enqueue_dma source(%arg7 : memref<120x128xf32, #tpu.memory_space<vmem>>) target(%dma_start3A_324 : memref<120x128xf32, #tpu.memory_space<hbm>>) target_semaphore(%run_scoped3A : memref<!tpu.dma_semaphore, #tpu.memory_space<semaphore_mem>>)
      %dma_wait3A_325 = arith.constant 0 : i32
      %dma_wait3A_326 = tpu.memref_slice %arg4[%add3A_231, %dma_wait3A_325] : memref<76800x128xf32, #tpu.memory_space<hbm>> -> memref<120x128xf32, #tpu.memory_space<hbm>>
      %dma_wait3A_327 = arith.constant 0 : i32
      %dma_wait3A_328 = tpu.memref_slice %arg4[%add3A_231, %dma_wait3A_327] : memref<76800x128xf32, #tpu.memory_space<hbm>> -> memref<120x128xf32, #tpu.memory_space<hbm>>
      tpu.wait_dma2 semaphore(%run_scoped3A : memref<!tpu.dma_semaphore, #tpu.memory_space<semaphore_mem>>) src(%arg7 : memref<120x128xf32, #tpu.memory_space<vmem>>) dst(%dma_wait3A_328 : memref<120x128xf32, #tpu.memory_space<hbm>>)
      tpu.yield
    }) : () -> ()
    %dma_wait3A_232 = arith.constant 14 : i32
    %dma_wait3A_233 = arith.constant 0 : i32
    %dma_wait3A_234 = tpu.memref_slice %arg5[%dma_wait3A_232, %dma_wait3A_233] : memref<20x120xi32, #tpu.memory_space<vmem>> -> memref<1x120xi32, #tpu.memory_space<vmem>>
    %dma_wait3A_235 = tpu.memref_squeeze %dma_wait3A_234 : memref<1x120xi32, #tpu.memory_space<vmem>> -> memref<120xi32, #tpu.memory_space<vmem>>
    %dma_wait3A_236 = arith.constant 0 : i32
    %dma_wait3A_237 = arith.constant 0 : i32
    %dma_wait3A_238 = tpu.memref_slice %arg2[%dma_wait3A_236, %dma_wait3A_237] : memref<6000x128xf32, #tpu.memory_space<hbm>> -> memref<6000x128xf32, #tpu.memory_space<hbm>>
    tpu.wait_indirect_dma semaphore(%arg8 : memref<!tpu.dma_semaphore, #tpu.memory_space<semaphore_mem>>) src(%dma_wait3A_238 : memref<6000x128xf32, #tpu.memory_space<hbm>>) dst(%arg6 : memref<120x128xf32, #tpu.memory_space<vmem>>)
    %dma_start3A_239 = arith.constant 15 : i32
    %dma_start3A_240 = arith.constant 0 : i32
    %dma_start3A_241 = tpu.memref_slice %arg5[%dma_start3A_239, %dma_start3A_240] : memref<20x120xi32, #tpu.memory_space<vmem>> -> memref<1x120xi32, #tpu.memory_space<vmem>>
    %dma_start3A_242 = tpu.memref_squeeze %dma_start3A_241 : memref<1x120xi32, #tpu.memory_space<vmem>> -> memref<120xi32, #tpu.memory_space<vmem>>
    %dma_start3A_243 = arith.constant 0 : i32
    %dma_start3A_244 = arith.constant 0 : i32
    %dma_start3A_245 = tpu.memref_slice %arg2[%dma_start3A_243, %dma_start3A_244] : memref<6000x128xf32, #tpu.memory_space<hbm>> -> memref<6000x128xf32, #tpu.memory_space<hbm>>
    tpu.enqueue_indirect_dma source(%dma_start3A_245 : memref<6000x128xf32, #tpu.memory_space<hbm>>) target(%arg7 : memref<120x128xf32, #tpu.memory_space<vmem>>) offsets(%dma_start3A_242 : memref<120xi32, #tpu.memory_space<vmem>>) semaphore(%arg9 : memref<!tpu.dma_semaphore, #tpu.memory_space<semaphore_mem>>)
    %add3A_246 = arith.constant 1680 : i32
    %add3A_247 = arith.addi %mul3A_2, %add3A_246 : i32
    "tpu.region"() ({
      %run_scoped3A = tpu.sem_alloc : memref<!tpu.dma_semaphore, #tpu.memory_space<semaphore_mem>>
      %dma_start3A_321 = arith.constant 0 : i32
      %dma_start3A_322 = tpu.memref_slice %arg4[%add3A_247, %dma_start3A_321] : memref<76800x128xf32, #tpu.memory_space<hbm>> -> memref<120x128xf32, #tpu.memory_space<hbm>>
      %dma_start3A_323 = arith.constant 0 : i32
      %dma_start3A_324 = tpu.memref_slice %arg4[%add3A_247, %dma_start3A_323] : memref<76800x128xf32, #tpu.memory_space<hbm>> -> memref<120x128xf32, #tpu.memory_space<hbm>>
      tpu.enqueue_dma source(%arg6 : memref<120x128xf32, #tpu.memory_space<vmem>>) target(%dma_start3A_324 : memref<120x128xf32, #tpu.memory_space<hbm>>) target_semaphore(%run_scoped3A : memref<!tpu.dma_semaphore, #tpu.memory_space<semaphore_mem>>)
      %dma_wait3A_325 = arith.constant 0 : i32
      %dma_wait3A_326 = tpu.memref_slice %arg4[%add3A_247, %dma_wait3A_325] : memref<76800x128xf32, #tpu.memory_space<hbm>> -> memref<120x128xf32, #tpu.memory_space<hbm>>
      %dma_wait3A_327 = arith.constant 0 : i32
      %dma_wait3A_328 = tpu.memref_slice %arg4[%add3A_247, %dma_wait3A_327] : memref<76800x128xf32, #tpu.memory_space<hbm>> -> memref<120x128xf32, #tpu.memory_space<hbm>>
      tpu.wait_dma2 semaphore(%run_scoped3A : memref<!tpu.dma_semaphore, #tpu.memory_space<semaphore_mem>>) src(%arg6 : memref<120x128xf32, #tpu.memory_space<vmem>>) dst(%dma_wait3A_328 : memref<120x128xf32, #tpu.memory_space<hbm>>)
      tpu.yield
    }) : () -> ()
    %dma_wait3A_248 = arith.constant 15 : i32
    %dma_wait3A_249 = arith.constant 0 : i32
    %dma_wait3A_250 = tpu.memref_slice %arg5[%dma_wait3A_248, %dma_wait3A_249] : memref<20x120xi32, #tpu.memory_space<vmem>> -> memref<1x120xi32, #tpu.memory_space<vmem>>
    %dma_wait3A_251 = tpu.memref_squeeze %dma_wait3A_250 : memref<1x120xi32, #tpu.memory_space<vmem>> -> memref<120xi32, #tpu.memory_space<vmem>>
    %dma_wait3A_252 = arith.constant 0 : i32
    %dma_wait3A_253 = arith.constant 0 : i32
    %dma_wait3A_254 = tpu.memref_slice %arg2[%dma_wait3A_252, %dma_wait3A_253] : memref<6000x128xf32, #tpu.memory_space<hbm>> -> memref<6000x128xf32, #tpu.memory_space<hbm>>
    tpu.wait_indirect_dma semaphore(%arg9 : memref<!tpu.dma_semaphore, #tpu.memory_space<semaphore_mem>>) src(%dma_wait3A_254 : memref<6000x128xf32, #tpu.memory_space<hbm>>) dst(%arg7 : memref<120x128xf32, #tpu.memory_space<vmem>>)
    %dma_start3A_255 = arith.constant 16 : i32
    %dma_start3A_256 = arith.constant 0 : i32
    %dma_start3A_257 = tpu.memref_slice %arg5[%dma_start3A_255, %dma_start3A_256] : memref<20x120xi32, #tpu.memory_space<vmem>> -> memref<1x120xi32, #tpu.memory_space<vmem>>
    %dma_start3A_258 = tpu.memref_squeeze %dma_start3A_257 : memref<1x120xi32, #tpu.memory_space<vmem>> -> memref<120xi32, #tpu.memory_space<vmem>>
    %dma_start3A_259 = arith.constant 0 : i32
    %dma_start3A_260 = arith.constant 0 : i32
    %dma_start3A_261 = tpu.memref_slice %arg2[%dma_start3A_259, %dma_start3A_260] : memref<6000x128xf32, #tpu.memory_space<hbm>> -> memref<6000x128xf32, #tpu.memory_space<hbm>>
    tpu.enqueue_indirect_dma source(%dma_start3A_261 : memref<6000x128xf32, #tpu.memory_space<hbm>>) target(%arg6 : memref<120x128xf32, #tpu.memory_space<vmem>>) offsets(%dma_start3A_258 : memref<120xi32, #tpu.memory_space<vmem>>) semaphore(%arg8 : memref<!tpu.dma_semaphore, #tpu.memory_space<semaphore_mem>>)
    %add3A_262 = arith.constant 1800 : i32
    %add3A_263 = arith.addi %mul3A_2, %add3A_262 : i32
    "tpu.region"() ({
      %run_scoped3A = tpu.sem_alloc : memref<!tpu.dma_semaphore, #tpu.memory_space<semaphore_mem>>
      %dma_start3A_321 = arith.constant 0 : i32
      %dma_start3A_322 = tpu.memref_slice %arg4[%add3A_263, %dma_start3A_321] : memref<76800x128xf32, #tpu.memory_space<hbm>> -> memref<120x128xf32, #tpu.memory_space<hbm>>
      %dma_start3A_323 = arith.constant 0 : i32
      %dma_start3A_324 = tpu.memref_slice %arg4[%add3A_263, %dma_start3A_323] : memref<76800x128xf32, #tpu.memory_space<hbm>> -> memref<120x128xf32, #tpu.memory_space<hbm>>
      tpu.enqueue_dma source(%arg7 : memref<120x128xf32, #tpu.memory_space<vmem>>) target(%dma_start3A_324 : memref<120x128xf32, #tpu.memory_space<hbm>>) target_semaphore(%run_scoped3A : memref<!tpu.dma_semaphore, #tpu.memory_space<semaphore_mem>>)
      %dma_wait3A_325 = arith.constant 0 : i32
      %dma_wait3A_326 = tpu.memref_slice %arg4[%add3A_263, %dma_wait3A_325] : memref<76800x128xf32, #tpu.memory_space<hbm>> -> memref<120x128xf32, #tpu.memory_space<hbm>>
      %dma_wait3A_327 = arith.constant 0 : i32
      %dma_wait3A_328 = tpu.memref_slice %arg4[%add3A_263, %dma_wait3A_327] : memref<76800x128xf32, #tpu.memory_space<hbm>> -> memref<120x128xf32, #tpu.memory_space<hbm>>
      tpu.wait_dma2 semaphore(%run_scoped3A : memref<!tpu.dma_semaphore, #tpu.memory_space<semaphore_mem>>) src(%arg7 : memref<120x128xf32, #tpu.memory_space<vmem>>) dst(%dma_wait3A_328 : memref<120x128xf32, #tpu.memory_space<hbm>>)
      tpu.yield
    }) : () -> ()
    %dma_wait3A_264 = arith.constant 16 : i32
    %dma_wait3A_265 = arith.constant 0 : i32
    %dma_wait3A_266 = tpu.memref_slice %arg5[%dma_wait3A_264, %dma_wait3A_265] : memref<20x120xi32, #tpu.memory_space<vmem>> -> memref<1x120xi32, #tpu.memory_space<vmem>>
    %dma_wait3A_267 = tpu.memref_squeeze %dma_wait3A_266 : memref<1x120xi32, #tpu.memory_space<vmem>> -> memref<120xi32, #tpu.memory_space<vmem>>
    %dma_wait3A_268 = arith.constant 0 : i32
    %dma_wait3A_269 = arith.constant 0 : i32
    %dma_wait3A_270 = tpu.memref_slice %arg2[%dma_wait3A_268, %dma_wait3A_269] : memref<6000x128xf32, #tpu.memory_space<hbm>> -> memref<6000x128xf32, #tpu.memory_space<hbm>>
    tpu.wait_indirect_dma semaphore(%arg8 : memref<!tpu.dma_semaphore, #tpu.memory_space<semaphore_mem>>) src(%dma_wait3A_270 : memref<6000x128xf32, #tpu.memory_space<hbm>>) dst(%arg6 : memref<120x128xf32, #tpu.memory_space<vmem>>)
    %dma_start3A_271 = arith.constant 17 : i32
    %dma_start3A_272 = arith.constant 0 : i32
    %dma_start3A_273 = tpu.memref_slice %arg5[%dma_start3A_271, %dma_start3A_272] : memref<20x120xi32, #tpu.memory_space<vmem>> -> memref<1x120xi32, #tpu.memory_space<vmem>>
    %dma_start3A_274 = tpu.memref_squeeze %dma_start3A_273 : memref<1x120xi32, #tpu.memory_space<vmem>> -> memref<120xi32, #tpu.memory_space<vmem>>
    %dma_start3A_275 = arith.constant 0 : i32
    %dma_start3A_276 = arith.constant 0 : i32
    %dma_start3A_277 = tpu.memref_slice %arg2[%dma_start3A_275, %dma_start3A_276] : memref<6000x128xf32, #tpu.memory_space<hbm>> -> memref<6000x128xf32, #tpu.memory_space<hbm>>
    tpu.enqueue_indirect_dma source(%dma_start3A_277 : memref<6000x128xf32, #tpu.memory_space<hbm>>) target(%arg7 : memref<120x128xf32, #tpu.memory_space<vmem>>) offsets(%dma_start3A_274 : memref<120xi32, #tpu.memory_space<vmem>>) semaphore(%arg9 : memref<!tpu.dma_semaphore, #tpu.memory_space<semaphore_mem>>)
    %add3A_278 = arith.constant 1920 : i32
    %add3A_279 = arith.addi %mul3A_2, %add3A_278 : i32
    "tpu.region"() ({
      %run_scoped3A = tpu.sem_alloc : memref<!tpu.dma_semaphore, #tpu.memory_space<semaphore_mem>>
      %dma_start3A_321 = arith.constant 0 : i32
      %dma_start3A_322 = tpu.memref_slice %arg4[%add3A_279, %dma_start3A_321] : memref<76800x128xf32, #tpu.memory_space<hbm>> -> memref<120x128xf32, #tpu.memory_space<hbm>>
      %dma_start3A_323 = arith.constant 0 : i32
      %dma_start3A_324 = tpu.memref_slice %arg4[%add3A_279, %dma_start3A_323] : memref<76800x128xf32, #tpu.memory_space<hbm>> -> memref<120x128xf32, #tpu.memory_space<hbm>>
      tpu.enqueue_dma source(%arg6 : memref<120x128xf32, #tpu.memory_space<vmem>>) target(%dma_start3A_324 : memref<120x128xf32, #tpu.memory_space<hbm>>) target_semaphore(%run_scoped3A : memref<!tpu.dma_semaphore, #tpu.memory_space<semaphore_mem>>)
      %dma_wait3A_325 = arith.constant 0 : i32
      %dma_wait3A_326 = tpu.memref_slice %arg4[%add3A_279, %dma_wait3A_325] : memref<76800x128xf32, #tpu.memory_space<hbm>> -> memref<120x128xf32, #tpu.memory_space<hbm>>
      %dma_wait3A_327 = arith.constant 0 : i32
      %dma_wait3A_328 = tpu.memref_slice %arg4[%add3A_279, %dma_wait3A_327] : memref<76800x128xf32, #tpu.memory_space<hbm>> -> memref<120x128xf32, #tpu.memory_space<hbm>>
      tpu.wait_dma2 semaphore(%run_scoped3A : memref<!tpu.dma_semaphore, #tpu.memory_space<semaphore_mem>>) src(%arg6 : memref<120x128xf32, #tpu.memory_space<vmem>>) dst(%dma_wait3A_328 : memref<120x128xf32, #tpu.memory_space<hbm>>)
      tpu.yield
    }) : () -> ()
    %dma_wait3A_280 = arith.constant 17 : i32
    %dma_wait3A_281 = arith.constant 0 : i32
    %dma_wait3A_282 = tpu.memref_slice %arg5[%dma_wait3A_280, %dma_wait3A_281] : memref<20x120xi32, #tpu.memory_space<vmem>> -> memref<1x120xi32, #tpu.memory_space<vmem>>
    %dma_wait3A_283 = tpu.memref_squeeze %dma_wait3A_282 : memref<1x120xi32, #tpu.memory_space<vmem>> -> memref<120xi32, #tpu.memory_space<vmem>>
    %dma_wait3A_284 = arith.constant 0 : i32
    %dma_wait3A_285 = arith.constant 0 : i32
    %dma_wait3A_286 = tpu.memref_slice %arg2[%dma_wait3A_284, %dma_wait3A_285] : memref<6000x128xf32, #tpu.memory_space<hbm>> -> memref<6000x128xf32, #tpu.memory_space<hbm>>
    tpu.wait_indirect_dma semaphore(%arg9 : memref<!tpu.dma_semaphore, #tpu.memory_space<semaphore_mem>>) src(%dma_wait3A_286 : memref<6000x128xf32, #tpu.memory_space<hbm>>) dst(%arg7 : memref<120x128xf32, #tpu.memory_space<vmem>>)
    %dma_start3A_287 = arith.constant 18 : i32
    %dma_start3A_288 = arith.constant 0 : i32
    %dma_start3A_289 = tpu.memref_slice %arg5[%dma_start3A_287, %dma_start3A_288] : memref<20x120xi32, #tpu.memory_space<vmem>> -> memref<1x120xi32, #tpu.memory_space<vmem>>
    %dma_start3A_290 = tpu.memref_squeeze %dma_start3A_289 : memref<1x120xi32, #tpu.memory_space<vmem>> -> memref<120xi32, #tpu.memory_space<vmem>>
    %dma_start3A_291 = arith.constant 0 : i32
    %dma_start3A_292 = arith.constant 0 : i32
    %dma_start3A_293 = tpu.memref_slice %arg2[%dma_start3A_291, %dma_start3A_292] : memref<6000x128xf32, #tpu.memory_space<hbm>> -> memref<6000x128xf32, #tpu.memory_space<hbm>>
    tpu.enqueue_indirect_dma source(%dma_start3A_293 : memref<6000x128xf32, #tpu.memory_space<hbm>>) target(%arg6 : memref<120x128xf32, #tpu.memory_space<vmem>>) offsets(%dma_start3A_290 : memref<120xi32, #tpu.memory_space<vmem>>) semaphore(%arg8 : memref<!tpu.dma_semaphore, #tpu.memory_space<semaphore_mem>>)
    %add3A_294 = arith.constant 2040 : i32
    %add3A_295 = arith.addi %mul3A_2, %add3A_294 : i32
    "tpu.region"() ({
      %run_scoped3A = tpu.sem_alloc : memref<!tpu.dma_semaphore, #tpu.memory_space<semaphore_mem>>
      %dma_start3A_321 = arith.constant 0 : i32
      %dma_start3A_322 = tpu.memref_slice %arg4[%add3A_295, %dma_start3A_321] : memref<76800x128xf32, #tpu.memory_space<hbm>> -> memref<120x128xf32, #tpu.memory_space<hbm>>
      %dma_start3A_323 = arith.constant 0 : i32
      %dma_start3A_324 = tpu.memref_slice %arg4[%add3A_295, %dma_start3A_323] : memref<76800x128xf32, #tpu.memory_space<hbm>> -> memref<120x128xf32, #tpu.memory_space<hbm>>
      tpu.enqueue_dma source(%arg7 : memref<120x128xf32, #tpu.memory_space<vmem>>) target(%dma_start3A_324 : memref<120x128xf32, #tpu.memory_space<hbm>>) target_semaphore(%run_scoped3A : memref<!tpu.dma_semaphore, #tpu.memory_space<semaphore_mem>>)
      %dma_wait3A_325 = arith.constant 0 : i32
      %dma_wait3A_326 = tpu.memref_slice %arg4[%add3A_295, %dma_wait3A_325] : memref<76800x128xf32, #tpu.memory_space<hbm>> -> memref<120x128xf32, #tpu.memory_space<hbm>>
      %dma_wait3A_327 = arith.constant 0 : i32
      %dma_wait3A_328 = tpu.memref_slice %arg4[%add3A_295, %dma_wait3A_327] : memref<76800x128xf32, #tpu.memory_space<hbm>> -> memref<120x128xf32, #tpu.memory_space<hbm>>
      tpu.wait_dma2 semaphore(%run_scoped3A : memref<!tpu.dma_semaphore, #tpu.memory_space<semaphore_mem>>) src(%arg7 : memref<120x128xf32, #tpu.memory_space<vmem>>) dst(%dma_wait3A_328 : memref<120x128xf32, #tpu.memory_space<hbm>>)
      tpu.yield
    }) : () -> ()
    %dma_wait3A_296 = arith.constant 18 : i32
    %dma_wait3A_297 = arith.constant 0 : i32
    %dma_wait3A_298 = tpu.memref_slice %arg5[%dma_wait3A_296, %dma_wait3A_297] : memref<20x120xi32, #tpu.memory_space<vmem>> -> memref<1x120xi32, #tpu.memory_space<vmem>>
    %dma_wait3A_299 = tpu.memref_squeeze %dma_wait3A_298 : memref<1x120xi32, #tpu.memory_space<vmem>> -> memref<120xi32, #tpu.memory_space<vmem>>
    %dma_wait3A_300 = arith.constant 0 : i32
    %dma_wait3A_301 = arith.constant 0 : i32
    %dma_wait3A_302 = tpu.memref_slice %arg2[%dma_wait3A_300, %dma_wait3A_301] : memref<6000x128xf32, #tpu.memory_space<hbm>> -> memref<6000x128xf32, #tpu.memory_space<hbm>>
    tpu.wait_indirect_dma semaphore(%arg8 : memref<!tpu.dma_semaphore, #tpu.memory_space<semaphore_mem>>) src(%dma_wait3A_302 : memref<6000x128xf32, #tpu.memory_space<hbm>>) dst(%arg6 : memref<120x128xf32, #tpu.memory_space<vmem>>)
    %dma_start3A_303 = arith.constant 19 : i32
    %dma_start3A_304 = arith.constant 0 : i32
    %dma_start3A_305 = tpu.memref_slice %arg5[%dma_start3A_303, %dma_start3A_304] : memref<20x120xi32, #tpu.memory_space<vmem>> -> memref<1x120xi32, #tpu.memory_space<vmem>>
    %dma_start3A_306 = tpu.memref_squeeze %dma_start3A_305 : memref<1x120xi32, #tpu.memory_space<vmem>> -> memref<120xi32, #tpu.memory_space<vmem>>
    %dma_start3A_307 = arith.constant 0 : i32
    %dma_start3A_308 = arith.constant 0 : i32
    %dma_start3A_309 = tpu.memref_slice %arg2[%dma_start3A_307, %dma_start3A_308] : memref<6000x128xf32, #tpu.memory_space<hbm>> -> memref<6000x128xf32, #tpu.memory_space<hbm>>
    tpu.enqueue_indirect_dma source(%dma_start3A_309 : memref<6000x128xf32, #tpu.memory_space<hbm>>) target(%arg7 : memref<120x128xf32, #tpu.memory_space<vmem>>) offsets(%dma_start3A_306 : memref<120xi32, #tpu.memory_space<vmem>>) semaphore(%arg9 : memref<!tpu.dma_semaphore, #tpu.memory_space<semaphore_mem>>)
    %add3A_310 = arith.constant 2160 : i32
    %add3A_311 = arith.addi %mul3A_2, %add3A_310 : i32
    "tpu.region"() ({
      %run_scoped3A = tpu.sem_alloc : memref<!tpu.dma_semaphore, #tpu.memory_space<semaphore_mem>>
      %dma_start3A_321 = arith.constant 0 : i32
      %dma_start3A_322 = tpu.memref_slice %arg4[%add3A_311, %dma_start3A_321] : memref<76800x128xf32, #tpu.memory_space<hbm>> -> memref<120x128xf32, #tpu.memory_space<hbm>>
      %dma_start3A_323 = arith.constant 0 : i32
      %dma_start3A_324 = tpu.memref_slice %arg4[%add3A_311, %dma_start3A_323] : memref<76800x128xf32, #tpu.memory_space<hbm>> -> memref<120x128xf32, #tpu.memory_space<hbm>>
      tpu.enqueue_dma source(%arg6 : memref<120x128xf32, #tpu.memory_space<vmem>>) target(%dma_start3A_324 : memref<120x128xf32, #tpu.memory_space<hbm>>) target_semaphore(%run_scoped3A : memref<!tpu.dma_semaphore, #tpu.memory_space<semaphore_mem>>)
      %dma_wait3A_325 = arith.constant 0 : i32
      %dma_wait3A_326 = tpu.memref_slice %arg4[%add3A_311, %dma_wait3A_325] : memref<76800x128xf32, #tpu.memory_space<hbm>> -> memref<120x128xf32, #tpu.memory_space<hbm>>
      %dma_wait3A_327 = arith.constant 0 : i32
      %dma_wait3A_328 = tpu.memref_slice %arg4[%add3A_311, %dma_wait3A_327] : memref<76800x128xf32, #tpu.memory_space<hbm>> -> memref<120x128xf32, #tpu.memory_space<hbm>>
      tpu.wait_dma2 semaphore(%run_scoped3A : memref<!tpu.dma_semaphore, #tpu.memory_space<semaphore_mem>>) src(%arg6 : memref<120x128xf32, #tpu.memory_space<vmem>>) dst(%dma_wait3A_328 : memref<120x128xf32, #tpu.memory_space<hbm>>)
      tpu.yield
    }) : () -> ()
    %dma_wait3A_312 = arith.constant 19 : i32
    %dma_wait3A_313 = arith.constant 0 : i32
    %dma_wait3A_314 = tpu.memref_slice %arg5[%dma_wait3A_312, %dma_wait3A_313] : memref<20x120xi32, #tpu.memory_space<vmem>> -> memref<1x120xi32, #tpu.memory_space<vmem>>
    %dma_wait3A_315 = tpu.memref_squeeze %dma_wait3A_314 : memref<1x120xi32, #tpu.memory_space<vmem>> -> memref<120xi32, #tpu.memory_space<vmem>>
    %dma_wait3A_316 = arith.constant 0 : i32
    %dma_wait3A_317 = arith.constant 0 : i32
    %dma_wait3A_318 = tpu.memref_slice %arg2[%dma_wait3A_316, %dma_wait3A_317] : memref<6000x128xf32, #tpu.memory_space<hbm>> -> memref<6000x128xf32, #tpu.memory_space<hbm>>
    tpu.wait_indirect_dma semaphore(%arg9 : memref<!tpu.dma_semaphore, #tpu.memory_space<semaphore_mem>>) src(%dma_wait3A_318 : memref<6000x128xf32, #tpu.memory_space<hbm>>) dst(%arg7 : memref<120x128xf32, #tpu.memory_space<vmem>>)
    %add3A_319 = arith.constant 2280 : i32
    %add3A_320 = arith.addi %mul3A_2, %add3A_319 : i32
    "tpu.region"() ({
      %run_scoped3A = tpu.sem_alloc : memref<!tpu.dma_semaphore, #tpu.memory_space<semaphore_mem>>
      %dma_start3A_321 = arith.constant 0 : i32
      %dma_start3A_322 = tpu.memref_slice %arg4[%add3A_320, %dma_start3A_321] : memref<76800x128xf32, #tpu.memory_space<hbm>> -> memref<120x128xf32, #tpu.memory_space<hbm>>
      %dma_start3A_323 = arith.constant 0 : i32
      %dma_start3A_324 = tpu.memref_slice %arg4[%add3A_320, %dma_start3A_323] : memref<76800x128xf32, #tpu.memory_space<hbm>> -> memref<120x128xf32, #tpu.memory_space<hbm>>
      tpu.enqueue_dma source(%arg7 : memref<120x128xf32, #tpu.memory_space<vmem>>) target(%dma_start3A_324 : memref<120x128xf32, #tpu.memory_space<hbm>>) target_semaphore(%run_scoped3A : memref<!tpu.dma_semaphore, #tpu.memory_space<semaphore_mem>>)
      %dma_wait3A_325 = arith.constant 0 : i32
      %dma_wait3A_326 = tpu.memref_slice %arg4[%add3A_320, %dma_wait3A_325] : memref<76800x128xf32, #tpu.memory_space<hbm>> -> memref<120x128xf32, #tpu.memory_space<hbm>>
      %dma_wait3A_327 = arith.constant 0 : i32
      %dma_wait3A_328 = tpu.memref_slice %arg4[%add3A_320, %dma_wait3A_327] : memref<76800x128xf32, #tpu.memory_space<hbm>> -> memref<120x128xf32, #tpu.memory_space<hbm>>
      tpu.wait_dma2 semaphore(%run_scoped3A : memref<!tpu.dma_semaphore, #tpu.memory_space<semaphore_mem>>) src(%arg7 : memref<120x128xf32, #tpu.memory_space<vmem>>) dst(%dma_wait3A_328 : memref<120x128xf32, #tpu.memory_space<hbm>>)
      tpu.yield
    }) : () -> ()
    return
  }
}

module attributes {stable_mosaic.version = 14 : i64} {
  func.func @body(%arg0: i32, %arg1: memref<1x256x768xf32, #tpu.memory_space<vmem>>, %arg2: memref<1x256x128xf32, #tpu.memory_space<vmem>>, %arg3: memref<768x3072xbf16, #tpu.memory_space<vmem>>, %arg4: memref<128x3072xbf16, #tpu.memory_space<vmem>>, %arg5: memref<1x3072xf32, #tpu.memory_space<vmem>>, %arg6: memref<1024x3072xbf16, #tpu.memory_space<vmem>>, %arg7: memref<1x3072xf32, #tpu.memory_space<vmem>>, %arg8: memref<1024x1000xbf16, #tpu.memory_space<vmem>>, %arg9: memref<1x1000xf32, #tpu.memory_space<vmem>>, %arg10: memref<1x256x1000xf32, #tpu.memory_space<vmem>>, %arg11: memref<256x1024xf32, #tpu.memory_space<vmem>>) attributes {dimension_semantics = [#tpu.dimension_semantics<arbitrary>], iteration_bounds = array<i64: 50>, scalar_prefetch = 0 : i64, scratch_operands = 1 : i64, tpu.core_type = #tpu.core_type<tc>, window_params = [{transform_indices = @transform_0, window_bounds = array<i64: 1, 256, 768>}, {transform_indices = @transform_1, window_bounds = array<i64: 1, 256, 128>}, {pipeline_mode = #tpu.pipeline_mode<synchronous>, transform_indices = @transform_2, window_bounds = array<i64: 768, 3072>}, {pipeline_mode = #tpu.pipeline_mode<synchronous>, transform_indices = @transform_3, window_bounds = array<i64: 128, 3072>}, {pipeline_mode = #tpu.pipeline_mode<synchronous>, transform_indices = @transform_4, window_bounds = array<i64: 1, 3072>}, {pipeline_mode = #tpu.pipeline_mode<synchronous>, transform_indices = @transform_5, window_bounds = array<i64: 1024, 3072>}, {pipeline_mode = #tpu.pipeline_mode<synchronous>, transform_indices = @transform_6, window_bounds = array<i64: 1, 3072>}, {pipeline_mode = #tpu.pipeline_mode<synchronous>, transform_indices = @transform_7, window_bounds = array<i64: 1024, 1000>}, {pipeline_mode = #tpu.pipeline_mode<synchronous>, transform_indices = @transform_8, window_bounds = array<i64: 1, 1000>}, {transform_indices = @transform_9, window_bounds = array<i64: 1, 256, 1000>}]} {
    %eq3A = arith.constant 0 : i32
    %eq3A_0 = arith.cmpi eq, %arg0, %eq3A : i32
    %convert_element_type3A = arith.extui %eq3A_0 : i1 to i32
    %cond3A = arith.constant 0 : i32
    %cond3A_1 = arith.cmpi ne, %convert_element_type3A, %cond3A : i32
    scf.if %cond3A_1 {
      %broadcast_in_dim3A = arith.constant 0.000000e+00 : f32
      %broadcast_in_dim3A_84 = vector.broadcast %broadcast_in_dim3A : f32 to vector<256x1024xf32>
      %swap3A_85 = arith.constant 0 : index
      %swap3A_86 = arith.constant 0 : index
      %swap3A_87 = vector.load %arg11[%swap3A_85, %swap3A_86] : memref<256x1024xf32, #tpu.memory_space<vmem>>, vector<256x1024xf32>
      tpu.vector_store %arg11[%swap3A_85, %swap3A_86], %broadcast_in_dim3A_84 {strides = array<i32>} : memref<256x1024xf32, #tpu.memory_space<vmem>>, vector<256x1024xf32>,
    } else {
    }
    %get3A = arith.constant 0 : index
    %get3A_2 = arith.constant 0 : index
    %get3A_3 = vector.load %arg11[%get3A, %get3A_2] : memref<256x1024xf32, #tpu.memory_space<vmem>>, vector<256x1024xf32>
    %get3A_4 = arith.constant 0 : index
    %get3A_5 = arith.constant 0 : index
    %get3A_6 = arith.constant 0 : index
    %get3A_7 = vector.load %arg1[%get3A_4, %get3A_5, %get3A_6] : memref<1x256x768xf32, #tpu.memory_space<vmem>>, vector<1x256x768xf32>
    %get3A_8 = vector.shape_cast %get3A_7 : vector<1x256x768xf32> to vector<256x768xf32>
    %convert_element_type3A_9 = arith.truncf %get3A_8 : vector<256x768xf32> to vector<256x768xbf16>
    %get3A_10 = arith.constant 0 : index
    %get3A_11 = arith.constant 0 : index
    %get3A_12 = vector.load %arg3[%get3A_10, %get3A_11] : memref<768x3072xbf16, #tpu.memory_space<vmem>>, vector<768x3072xbf16>
    %dot_general3A = arith.constant dense<0.000000e+00> : vector<256x3072xf32>
    %dot_general3A_13 = tpu.matmul %convert_element_type3A_9, %get3A_12, %dot_general3A {dimension_numbers = #tpu.dot_dimension_numbers<[1], [0], [0], [1], [0, 0, 1, 1], [], []>, transpose_lhs_hint = false} : vector<256x768xbf16>, vector<768x3072xbf16>, vector<256x3072xf32> -> vector<256x3072xf32>
    %get3A_14 = arith.constant 0 : index
    %get3A_15 = arith.constant 0 : index
    %get3A_16 = arith.constant 0 : index
    %get3A_17 = vector.load %arg2[%get3A_14, %get3A_15, %get3A_16] : memref<1x256x128xf32, #tpu.memory_space<vmem>>, vector<1x256x128xf32>
    %get3A_18 = vector.shape_cast %get3A_17 : vector<1x256x128xf32> to vector<256x128xf32>
    %convert_element_type3A_19 = arith.truncf %get3A_18 : vector<256x128xf32> to vector<256x128xbf16>
    %get3A_20 = arith.constant 0 : index
    %get3A_21 = arith.constant 0 : index
    %get3A_22 = vector.load %arg4[%get3A_20, %get3A_21] : memref<128x3072xbf16, #tpu.memory_space<vmem>>, vector<128x3072xbf16>
    %dot_general3A_23 = arith.constant dense<0.000000e+00> : vector<256x3072xf32>
    %dot_general3A_24 = tpu.matmul %convert_element_type3A_19, %get3A_22, %dot_general3A_23 {dimension_numbers = #tpu.dot_dimension_numbers<[1], [0], [0], [1], [0, 0, 1, 1], [], []>, transpose_lhs_hint = false} : vector<256x128xbf16>, vector<128x3072xbf16>, vector<256x3072xf32> -> vector<256x3072xf32>
    %add3A = arith.addf %dot_general3A_13, %dot_general3A_24 : vector<256x3072xf32>
    %get3A_25 = arith.constant 0 : index
    %get3A_26 = arith.constant 0 : index
    %get3A_27 = vector.load %arg5[%get3A_25, %get3A_26] : memref<1x3072xf32, #tpu.memory_space<vmem>>, vector<1x3072xf32>
    %add3A_28 = vector.broadcast %get3A_27 : vector<1x3072xf32> to vector<256x3072xf32>
    %add3A_29 = arith.addf %add3A, %add3A_28 : vector<256x3072xf32>
    %convert_element_type3A_30 = arith.truncf %get3A_3 : vector<256x1024xf32> to vector<256x1024xbf16>
    %get3A_31 = arith.constant 0 : index
    %get3A_32 = arith.constant 0 : index
    %get3A_33 = vector.load %arg6[%get3A_31, %get3A_32] : memref<1024x3072xbf16, #tpu.memory_space<vmem>>, vector<1024x3072xbf16>
    %dot_general3A_34 = arith.constant dense<0.000000e+00> : vector<256x3072xf32>
    %dot_general3A_35 = tpu.matmul %convert_element_type3A_30, %get3A_33, %dot_general3A_34 {dimension_numbers = #tpu.dot_dimension_numbers<[1], [0], [0], [1], [0, 0, 1, 1], [], []>, transpose_lhs_hint = false} : vector<256x1024xbf16>, vector<1024x3072xbf16>, vector<256x3072xf32> -> vector<256x3072xf32>
    %get3A_36 = arith.constant 0 : index
    %get3A_37 = arith.constant 0 : index
    %get3A_38 = vector.load %arg7[%get3A_36, %get3A_37] : memref<1x3072xf32, #tpu.memory_space<vmem>>, vector<1x3072xf32>
    %add3A_39 = vector.broadcast %get3A_38 : vector<1x3072xf32> to vector<256x3072xf32>
    %add3A_40 = arith.addf %dot_general3A_35, %add3A_39 : vector<256x3072xf32>
    %slice3A = vector.extract_strided_slice %add3A_29 {offsets = [0, 0], sizes = [256, 1024], strides = [1, 1]} : vector<256x3072xf32> to vector<256x1024xf32>
    %slice3A_41 = vector.extract_strided_slice %add3A_40 {offsets = [0, 0], sizes = [256, 1024], strides = [1, 1]} : vector<256x3072xf32> to vector<256x1024xf32>
    %add3A_42 = arith.addf %slice3A, %slice3A_41 : vector<256x1024xf32>
    %logistic3A = arith.negf %add3A_42 : vector<256x1024xf32>
    %logistic3A_43 = math.exp %logistic3A : vector<256x1024xf32>
    %logistic3A_44 = arith.constant 1.000000e+00 : f32
    %logistic3A_45 = vector.broadcast %logistic3A_44 : f32 to vector<256x1024xf32>
    %logistic3A_46 = arith.addf %logistic3A_45, %logistic3A_43 : vector<256x1024xf32>
    %logistic3A_47 = arith.divf %logistic3A_45, %logistic3A_46 : vector<256x1024xf32>
    %slice3A_48 = vector.extract_strided_slice %add3A_29 {offsets = [0, 1024], sizes = [256, 1024], strides = [1, 1]} : vector<256x3072xf32> to vector<256x1024xf32>
    %slice3A_49 = vector.extract_strided_slice %add3A_40 {offsets = [0, 1024], sizes = [256, 1024], strides = [1, 1]} : vector<256x3072xf32> to vector<256x1024xf32>
    %add3A_50 = arith.addf %slice3A_48, %slice3A_49 : vector<256x1024xf32>
    %logistic3A_51 = arith.negf %add3A_50 : vector<256x1024xf32>
    %logistic3A_52 = math.exp %logistic3A_51 : vector<256x1024xf32>
    %logistic3A_53 = arith.constant 1.000000e+00 : f32
    %logistic3A_54 = vector.broadcast %logistic3A_53 : f32 to vector<256x1024xf32>
    %logistic3A_55 = arith.addf %logistic3A_54, %logistic3A_52 : vector<256x1024xf32>
    %logistic3A_56 = arith.divf %logistic3A_54, %logistic3A_55 : vector<256x1024xf32>
    %slice3A_57 = vector.extract_strided_slice %add3A_29 {offsets = [0, 2048], sizes = [256, 1024], strides = [1, 1]} : vector<256x3072xf32> to vector<256x1024xf32>
    %slice3A_58 = vector.extract_strided_slice %add3A_40 {offsets = [0, 2048], sizes = [256, 1024], strides = [1, 1]} : vector<256x3072xf32> to vector<256x1024xf32>
    %mul3A = arith.mulf %logistic3A_47, %slice3A_58 : vector<256x1024xf32>
    %add3A_59 = arith.addf %slice3A_57, %mul3A : vector<256x1024xf32>
    %tanh3A = math.tanh %add3A_59 : vector<256x1024xf32>
    %sub3A = arith.constant 1.000000e+00 : f32
    %sub3A_60 = vector.broadcast %sub3A : f32 to vector<256x1024xf32>
    %sub3A_61 = arith.subf %sub3A_60, %logistic3A_56 : vector<256x1024xf32>
    %mul3A_62 = arith.mulf %sub3A_61, %tanh3A : vector<256x1024xf32>
    %mul3A_63 = arith.mulf %logistic3A_56, %get3A_3 : vector<256x1024xf32>
    %add3A_64 = arith.addf %mul3A_62, %mul3A_63 : vector<256x1024xf32>
    %swap3A = arith.constant 0 : index
    %swap3A_65 = arith.constant 0 : index
    %swap3A_66 = vector.load %arg11[%swap3A, %swap3A_65] : memref<256x1024xf32, #tpu.memory_space<vmem>>, vector<256x1024xf32>
    tpu.vector_store %arg11[%swap3A, %swap3A_65], %add3A_64 {strides = array<i32>} : memref<256x1024xf32, #tpu.memory_space<vmem>>, vector<256x1024xf32>,
    %convert_element_type3A_67 = arith.truncf %add3A_64 : vector<256x1024xf32> to vector<256x1024xbf16>
    %get3A_68 = arith.constant 0 : index
    %get3A_69 = arith.constant 0 : index
    %get3A_70 = vector.load %arg8[%get3A_68, %get3A_69] : memref<1024x1000xbf16, #tpu.memory_space<vmem>>, vector<1024x1000xbf16>
    %dot_general3A_71 = arith.constant dense<0.000000e+00> : vector<256x1000xf32>
    %dot_general3A_72 = tpu.matmul %convert_element_type3A_67, %get3A_70, %dot_general3A_71 {dimension_numbers = #tpu.dot_dimension_numbers<[1], [0], [0], [1], [0, 0, 1, 1], [], []>, transpose_lhs_hint = false} : vector<256x1024xbf16>, vector<1024x1000xbf16>, vector<256x1000xf32> -> vector<256x1000xf32>
    %get3A_73 = arith.constant 0 : index
    %get3A_74 = arith.constant 0 : index
    %get3A_75 = vector.load %arg9[%get3A_73, %get3A_74] : memref<1x1000xf32, #tpu.memory_space<vmem>>, vector<1x1000xf32>
    %add3A_76 = vector.broadcast %get3A_75 : vector<1x1000xf32> to vector<256x1000xf32>
    %add3A_77 = arith.addf %dot_general3A_72, %add3A_76 : vector<256x1000xf32>
    %swap3A_78 = arith.constant 0 : index
    %swap3A_79 = arith.constant 0 : index
    %swap3A_80 = arith.constant 0 : index
    %swap3A_81 = vector.load %arg10[%swap3A_78, %swap3A_79, %swap3A_80] : memref<1x256x1000xf32, #tpu.memory_space<vmem>>, vector<1x256x1000xf32>
    %swap3A_82 = vector.shape_cast %swap3A_81 : vector<1x256x1000xf32> to vector<256x1000xf32>
    %swap3A_83 = vector.shape_cast %add3A_77 : vector<256x1000xf32> to vector<1x256x1000xf32>
    tpu.vector_store %arg10[%swap3A_78, %swap3A_79, %swap3A_80], %swap3A_83 {strides = array<i32>} : memref<1x256x1000xf32, #tpu.memory_space<vmem>>, vector<1x256x1000xf32>,
    return
  }
  func.func @transform_0(%arg0: i32) -> (i32, i32, i32) {
    %c0_i32 = arith.constant 0 : i32
    %c0_i32_0 = arith.constant 0 : i32
    %c0_i32_1 = arith.constant 0 : i32
    return %arg0, %c0_i32, %c0_i32_0 : i32, i32, i32
  }
  func.func @transform_1(%arg0: i32) -> (i32, i32, i32) {
    %c0_i32 = arith.constant 0 : i32
    %c0_i32_0 = arith.constant 0 : i32
    %c0_i32_1 = arith.constant 0 : i32
    return %arg0, %c0_i32, %c0_i32_0 : i32, i32, i32
  }
  func.func @transform_2(%arg0: i32) -> (i32, i32) {
    %c0_i32 = arith.constant 0 : i32
    %c0_i32_0 = arith.constant 0 : i32
    %c0_i32_1 = arith.constant 0 : i32
    return %c0_i32, %c0_i32_0 : i32, i32
  }
  func.func @transform_3(%arg0: i32) -> (i32, i32) {
    %c0_i32 = arith.constant 0 : i32
    %c0_i32_0 = arith.constant 0 : i32
    %c0_i32_1 = arith.constant 0 : i32
    return %c0_i32, %c0_i32_0 : i32, i32
  }
  func.func @transform_4(%arg0: i32) -> (i32, i32) {
    %c0_i32 = arith.constant 0 : i32
    %c0_i32_0 = arith.constant 0 : i32
    %c0_i32_1 = arith.constant 0 : i32
    return %c0_i32, %c0_i32_0 : i32, i32
  }
  func.func @transform_5(%arg0: i32) -> (i32, i32) {
    %c0_i32 = arith.constant 0 : i32
    %c0_i32_0 = arith.constant 0 : i32
    %c0_i32_1 = arith.constant 0 : i32
    return %c0_i32, %c0_i32_0 : i32, i32
  }
  func.func @transform_6(%arg0: i32) -> (i32, i32) {
    %c0_i32 = arith.constant 0 : i32
    %c0_i32_0 = arith.constant 0 : i32
    %c0_i32_1 = arith.constant 0 : i32
    return %c0_i32, %c0_i32_0 : i32, i32
  }
  func.func @transform_7(%arg0: i32) -> (i32, i32) {
    %c0_i32 = arith.constant 0 : i32
    %c0_i32_0 = arith.constant 0 : i32
    %c0_i32_1 = arith.constant 0 : i32
    return %c0_i32, %c0_i32_0 : i32, i32
  }
  func.func @transform_8(%arg0: i32) -> (i32, i32) {
    %c0_i32 = arith.constant 0 : i32
    %c0_i32_0 = arith.constant 0 : i32
    %c0_i32_1 = arith.constant 0 : i32
    return %c0_i32, %c0_i32_0 : i32, i32
  }
  func.func @transform_9(%arg0: i32) -> (i32, i32, i32) {
    %c0_i32 = arith.constant 0 : i32
    %c0_i32_0 = arith.constant 0 : i32
    %c0_i32_1 = arith.constant 0 : i32
    return %arg0, %c0_i32, %c0_i32_0 : i32, i32, i32
  }
}

</mosaic_0001>

<sc_bundles>
// kernel: kernel.4.cloned.1.call-start
scs
__scs_entry_jumppad:
0x0: {  	(pc) =	sbr.rel $0x88, $3  }
0x1: {  	(tag) =	ssettag $0x0;
	lr =	simm.s32 $0x1  }
0x2: {  	[smem:$0x3F8D] =	sst lr;
	_ =	strace $0xD0000000  }
0x3: {  	_ = 	snop  }
0x4: {  	_ = 	snop  }
0x5: {  	_ = 	snop  }
0x6: {  	_ = 	snop  }
0x7: {  	_ = 	snop  }
__scs_overlays_trampoline_lowered:
0x8: {  	[smem:$0x3F9C] =	sst s0  }
0x9: {  	[smem:$0x3F9D] =	sst s1  }
0xa: {  	[smem:$0x3F9E] =	sst s2  }
0xb: {  	[smem:$0x3F9F] =	sst s3  }
0xc: {  	[smem:$0x3FA0] =	sst s4  }
0xd: {  	[smem:$0x3FA1] =	sst s5  }
0xe: {  	[smem:$0x3FA2] =	sst s6  }
0xf: {  	[smem:$0x3FA3] =	sst s7  }
0x10: {  	[smem:$0x3FA4] =	sst s8  }
0x11: {  	[smem:$0x3FA5] =	sst s9;
	s0 =	simm.s32 @!p0 $0x0  }
0x12: {  	s1 =	sld [smem:$0x3F8B];
	s0 =	simm.s32 @p0 $0x1  }
0x13: {  	[smem:$0x3FA6] =	sst s0;
	s0 =	simm.s32 @!p1 $0x0  }
0x14: {  	s2 =	sld [smem:$0x3F8A];
	s0 =	simm.s32 @p1 $0x1  }
0x15: {  	[smem:$0x3FA7] =	sst s0;
	s0 =	simm.s32 @!p2 $0x0  }
0x16: {  	s3 =	sld [smem:$0x3FDB];
	s0 =	simm.s32 @p2 $0x1  }
0x17: {  	s4 =	simm.s32 $0x1BF5;
	[smem:$0x3FA9] =	sst s0  }
0x18: {  	s0 =	sld [smem:$0x3F8C];
	_ =	swait.ge [sflag:s4], $0x0  }
0x19: {  	s7 =	sld [smem:$0x3F8D]  }
0x1a: {  	s8 =	sadd.s32 $0xFFFFE003, lr  }
0x1b: {  	s9 =	sadd.s32 $0xFFFFFEF7, lr;
	s5 =	simm.s32 $0xFFFFFFFF;
	p2 =	slt.u32 s8, $0xFFFFF086  }
0x1c: {  	p1 =	slt.u32 s9, $0xF7A;
	s5 =	simm.s32 @!p2 $0x0  }
0x1d: {  	s5 =	simm.s32 @p1 $0x1;
	p0 =	seq.s32 s7, s2  }
0x1e: {  	s7 =	smul.u32 @!p0 $0xF7A, s2;
	p2 =	seq.s32 @!p0 s5, $0x0  }
0x1f: {  	s9 =	smul.u32 $0xF7A, s1;
	s8 =	simm.s32 @!p0 $0x1BF5;
	p2 =	por !p2, p0  }
0x20: {  	[sflag:s8] =	ssyncset.s32 @!p0 $0xFFFFF086;
	s6 =	sadd.s32 @!p0 s3, s7;
	s7 =	simm.s32 @!p0 $0x108  }
0x21: {  	s3 =	sadd.s32 s3, s9;
	s6 =	sadd.s32 @!p0 $0x88, s6;
	s7 =	simm.s32 @p2 $0x1082  }
0x22: {  	[simem:s7], [sflag:s8] =	dma.local @!p0 [hbm:s6], $0xF7A  }
0x23: {  	s9 =	sor.u32 $0xD0000000, s2;
	s6 =	simm.s32 $0x108;
	_ =	swait.ge @!p0 [sflag:s8], $0x0  }
0x24: {  	s3 =	sadd.s32 $0x88, s3;
	s6 =	simm.s32 @!p1 $0x1082;
	[sflag:s4] =	ssyncset.s32 $0xFFFFF086  }
0x25: {  	[simem:s6], [sflag:s4] =	dma.local [hbm:s3], $0xF7A  }
0x26: {  	[smem:$0x3F8D] =	sst s1;
	(tag) =	ssettag s2;
	_ =	strace s9  }
0x27: {  	s1 =	sld [smem:$0x3F9D]  }
0x28: {  	s2 =	sld [smem:$0x3F9E]  }
0x29: {  	s4 =	sld [smem:$0x3FA0]  }
0x2a: {  	p0 =	seq.s32 s5, $0x0;
	s5 =	sld [smem:$0x3FA1]  }
0x2b: {  	s6 =	sld [smem:$0x3FA2]  }
0x2c: {  	s7 =	sld [smem:$0x3FA3]  }
0x2d: {  	s3 =	simm.s32 $0x108;
	s8 =	sld [smem:$0x3FA4]  }
0x2e: {  	s3 =	simm.s32 @!p0 $0x1082;
	s9 =	sld [smem:$0x3FA5]  }
0x2f: {  	lr =	sadd.s32 s0, s3;
	s0 =	sld [smem:$0x3F9C]  }
0x30: {  	s3 =	sld [smem:$0x3F9F]  }
0x31: {  	[smem:$0x3FA8] =	sst s10  }
0x32: {  	s10 =	sld [smem:$0x3FA6];
	_ =	sdelay $0x3  }
0x33: {  	p0 =	seq.s32 s10, $0x1;
	s10 =	sld [smem:$0x3FA8];
	_ =	sdelay $0x3  }
0x34: {  	[smem:$0x3FA8] =	sst s10  }
0x35: {  	s10 =	sld [smem:$0x3FA7];
	_ =	sdelay $0x3  }
0x36: {  	p1 =	seq.s32 s10, $0x1;
	s10 =	sld [smem:$0x3FA8];
	_ =	sdelay $0x3  }
0x37: {  	[smem:$0x3FA8] =	sst s10  }
0x38: {  	s10 =	sld [smem:$0x3FA9]  }
0x39: {  	_ = 	snop;
	(pc) =	sbr.ind lr, $3  }
0x3a: {  	_ = 	snop  }
0x3b: {  	_ = 	snop  }
0x3c: {  	p2 =	seq.s32 s10, $0x1;
	s10 =	sld [smem:$0x3FA8]  }
0x3d: {  	_ =	shalt  }
0x3e: {  	_ =	shalt  }
0x3f: {  	_ =	shalt  }
0x40: {  	_ =	shalt  }
0x41: {  	_ =	shalt  }
0x42: {  	_ =	shalt  }
0x43: {  	_ =	shalt  }
0x44: {  	_ =	shalt  }
0x45: {  	_ =	shalt  }
0x46: {  	_ =	shalt  }
0x47: {  	_ =	shalt  }
0x48: {  	_ =	shalt  }
0x49: {  	_ =	shalt  }
0x4a: {  	_ =	shalt  }
0x4b: {  	_ =	shalt  }
0x4c: {  	_ =	shalt  }
0x4d: {  	_ =	shalt  }
0x4e: {  	_ =	shalt  }
0x4f: {  	_ =	shalt  }
0x50: {  	_ =	shalt  }
0x51: {  	_ =	shalt  }
0x52: {  	_ =	shalt  }
0x53: {  	_ =	shalt  }
0x54: {  	_ =	shalt  }
0x55: {  	_ =	shalt  }
0x56: {  	_ =	shalt  }
0x57: {  	_ =	shalt  }
0x58: {  	_ =	shalt  }
0x59: {  	_ =	shalt  }
0x5a: {  	_ =	shalt  }
0x5b: {  	_ =	shalt  }
0x5c: {  	_ =	shalt  }
0x5d: {  	_ =	shalt  }
0x5e: {  	_ =	shalt  }
0x5f: {  	_ =	shalt  }
0x60: {  	_ =	shalt  }
0x61: {  	_ =	shalt  }
0x62: {  	_ =	shalt  }
0x63: {  	_ =	shalt  }
0x64: {  	_ =	shalt  }
0x65: {  	_ =	shalt  }
0x66: {  	_ =	shalt  }
0x67: {  	_ =	shalt  }
0x68: {  	_ =	shalt  }
0x69: {  	_ =	shalt  }
0x6a: {  	_ =	shalt  }
0x6b: {  	_ =	shalt  }
0x6c: {  	_ =	shalt  }
0x6d: {  	_ =	shalt  }
0x6e: {  	_ =	shalt  }
0x6f: {  	_ =	shalt  }
0x70: {  	_ =	shalt  }
0x71: {  	_ =	shalt  }
0x72: {  	_ =	shalt  }
0x73: {  	_ =	shalt  }
0x74: {  	_ =	shalt  }
0x75: {  	_ =	shalt  }
0x76: {  	_ =	shalt  }
0x77: {  	_ =	shalt  }
0x78: {  	_ =	shalt  }
0x79: {  	_ =	shalt  }
0x7a: {  	_ =	shalt  }
0x7b: {  	_ =	shalt  }
0x7c: {  	_ =	shalt  }
0x7d: {  	_ =	shalt  }
0x7e: {  	_ =	shalt  }
0x7f: {  	_ =	shalt  }
0x80: {  	_ =	shalt  }
0x81: {  	_ =	shalt  }
0x82: {  	_ =	shalt  }
0x83: {  	_ =	shalt  }
0x84: {  	_ =	shalt  }
0x85: {  	_ =	shalt  }
0x86: {  	_ =	shalt  }
0x87: {  	_ =	shalt  }
.Lfunc_end0:
.L_simem_size_0:
called_computation.1_lowered:
.L_overlay_start_0:
0x88: {  	s2 =	sld [smem:$0x3FD9]  }
0x89: {  	s3 =	sld [smem:$0x3FFE];
	_ =	sdelay $0x1  }
0x8a: {  	s1 =	srdreg.scid  }
0x8b: {  	s0 =	sand.u32 $0x1, s1  }
0x8c: {  	s16 =	sshll.u32 s0, $0xA;
	s2 =	sadd.s32 s3, s2  }
0x8d: {  	s2 =	sadd.s32 s2, s16  }
0x8e: {  	[smem:$0x3FB4] =	sst s2  }
0x8f: {  	_ = 	snop  }
0x90: {  	(tm) =	ssettm $0x1  }
0x91: {  	s17 =	sld [smem:$0x3FFB];
	_ =	sdelay $0x3  }
0x92: {  	_ =	strace s17  }
0x93: {  	s2 =	sld [smem:$0x3FFC];
	_ =	sdelay $0x3  }
0x94: {  	_ =	strace s2  }
0x95: {  	s2 =	sld [smem:$0x3FFD];
	_ =	sdelay $0x3  }
0x96: {  	_ =	strace s2  }
0x97: {  	_ =	strace $0x8FFFFFFF  }
0x98: {  	s18 =	sld [smem:$0x3FDB];
	_ =	sdelay $0x1  }
0x99: {  	s19 =	simm.s32 $_scs_section_size  }
0x9a: {  	s4 =	simm.s32 $_size__tile_overlayer_lowered;
	s5 =	simm.s32 $_tile_overlayer_lowered  }
0x9b: {  	s22 =	simm.s32 $0x1BFF;
	s21 =	sshll.u32 s5, $0x1;
	s2 =	sadd.s32 s19, s18  }
0x9c: {  	s6 =	simm.s32 $0x0;
	s20 =	sshll.u32 s4, $0x1;
	s4 =	sadd.s32 s21, s2  }
0x9d: {  	[timem:s6], [sflag:s22] =	dma.local [hbm:s4], s20  }
0x9e: {  	_ =	swait.ge [sflag:s22], s20  }
0x9f: {  	s3 =	ssub.s32 $0x0, s20;
	[sflag:s22] =	ssyncset.done $0x0  }
0xa0: {  	[sflag:s22] =	ssyncadd.s32 s3;
	_ =	sdelay $0x1  }
0xa1: {  	s23 =	simm.s32 $0x1B8B  }
0xa2: {  	_ =	swait.ge [sflag:s23], $0x1  }
0xa3: {  	[sflag:s23] =	ssyncset.done $0x0  }
0xa4: {  	s25 =	simm.s32 $0x1B8E;
	s24 =	sld [smem:$0x3FFE];
	[sflag:s23] =	ssyncadd.s32 $0xFFFFFFFF  }
0xa5: {  	s26 =	simm.s32 $execute0_lowered;
	[smem:$0x3FD2] =	sst s25  }
0xa6: {  	s4 =	sshll.u32 s26, $0x1;
	_ =	strace $0x80000046;
	[dreg:$0x1] =	wrdreg $0xFFFFFFFF  }
0xa7: {  	s28 =	simm.s32 $_size_execute0_lowered;
	s2 =	sadd.s32 s2, s4;
	[dreg:$0x0] =	wrdreg $0x0  }
0xa8: {  	s4 =	sshll.u32 s28, $0x1;
	[dreg:$0x2] =	wrdreg s2  }
0xa9: {  	[dreg:$0x3] =	wrdreg s4  }
0xaa: {  	[dreg:$0x4] =	wrdreg $0xC0  }
0xab: {  	_ =	task [dreg:s6], $0x5FFFF  }
0xac: {  	[dreg:$0x1] =	wrdreg $0xFFFFFFFF  }
0xad: {  	[dreg:$0x0] =	wrdreg $0x60  }
0xae: {  	[dreg:$0x2] =	wrdreg s24  }
0xaf: {  	[dreg:$0x3] =	wrdreg $0x9  }
0xb0: {  	_ =	task.clear_ibuf [dreg:s6], $0x4FFFF;
	_ =	strace $0x90000046  }
0xb1: {  	s29 =	simm.s32 $0x9;
	_ =	strace $0x80000048  }
0xb2: {  	_ =	swait.ge [sflag:s29], $0x1  }
0xb3: {  	[sflag:s29] =	ssyncadd.s32 $0xFFFFFFFF  }
0xb4: {  	_ =	strace $0x90000048  }
0xb5: {  	_ =	sfence  }
0xb6: {  	s30 =	sld [smem:$0x0];
	_ =	sdelay $0x2  }
0xb7: {  	s31 =	sshll.u32 s1, $0xD;
	s1 =	sshrl.u32 s1, $0x2  }
0xb8: {  	s3 =	sand.u32 $0x4000, s31;
	s1 =	sadd.s32 s1, s30  }
0xb9: {  	s0 =	sor.u32 s3, s0;
	s1 =	sshll.u32 s1, $0x11  }
0xba: {  	s0 =	sor.u32 s1, s0  }
0xbb: {  	s0 =	sadd.s32 $0x8F2B, s0  }
0xbc: {  	[sflag:s0] =	ssyncadd.remote.s32 $0x1  }
0xbd: {  	_ =	sfence.sel $0xFFFF  }
0xbe: {  	[dreg:$0x0] =	wrdreg $0xFFFFFFFF;
	(pc) =	sbr.abs _section_cstart, $3  }
0xbf: {  	[dreg:$0x1] =	wrdreg $0xFFFFFFFF  }
0xc0: {  	_ =	task.clear_ibuf [dreg:s6], $0x2FFFF;
	_ =	strace $0x9FFFFFFF  }
0xc1: {  	(tm) =	ssettm $0x7FFFFFFF  }
tec
execute0_lowered:
.L_overlay_start_1:
0x0: {  	(tag) =	ssettag $0x1  }
0x1: {  	s0 =	srdreg.scid;
	s1 =	stileid.u32  }
0x2: {  	s0 =	sand.u32 $0x1, s0;
	s1 =	sshll.u32 s1, $0x1  }
0x3: {  	s1 =	sor.u32 s0, s1  }
0x4: {  	s4 =	smul.u32 $0x180, s1  }
0x5: {  	s3 =	rddreg [dreg:$0x0];
	s2 =	simm.s32 $0x0;
	s5 =	smul.u32 $0x4B000, s1  }
0x6: {  	[smem:$0x7FF] =	sst s2;
	s1 =	smul.u32 $0x9600, s1  }
0x7: {  	s6 =	sadd.s32 $0x1D600, s3;
	_ =	strace $0x80000047  }
0x8: {  	s4 =	sadd.s32 s4, s3;
	s5 =	sshrl.u32 s5, $0x3;
	s1 =	sadd.s32 s6, s1  }
0x9: {  	s4 =	sadd.s32 $0x2E00, s4;
	s8 =	sadd.s32 s6, s5;
	[dreg:$0x3] =	wrdreg s1  }
0xa: {  	s31 =	simm.s32 $0x80;
	[dreg:$0x2] =	wrdreg s4;
	s9 =	sadd.s32 $0x780, s8  }
0xb: {  	s7 =	simm.s32 $0x4800;
	s10 =	sadd.s32 $0xF00, s8;
	[dreg:$0x4] =	wrdreg s9  }
0xc: {  	s30 =	simm.s32 $0x100;
	s11 =	sadd.s32 $0x1680, s8;
	[dreg:$0x5] =	wrdreg s10  }
0xd: {  	s29 =	simm.s32 $0x180;
	s12 =	sadd.s32 $0x1E00, s8;
	[dreg:$0x6] =	wrdreg s11  }
0xe: {  	s28 =	simm.s32 $0x200;
	s13 =	sadd.s32 $0x2580, s8;
	[dreg:$0x7] =	wrdreg s12  }
0xf: {  	p0 =	por $0x0, $0x0;
	s14 =	sadd.s32 $0x2D00, s8;
	[dreg:$0x8] =	wrdreg s13  }
0x10: {  	s0 =	ssub.s32 $0x2, s0;
	s15 =	sadd.s32 $0x3480, s8;
	[dreg:$0x9] =	wrdreg s14  }
0x11: {  	s24 =	sshrl.u32 s0, $0x1;
	s16 =	sadd.s32 $0x3C00, s8;
	[dreg:$0xa] =	wrdreg s15  }
0x12: {  	s0 =	ssub.s32 s0, s24;
	s17 =	sadd.s32 $0x4380, s8;
	[dreg:$0xb] =	wrdreg s16  }
0x13: {  	s24 =	simm.s32 $0x380;
	s18 =	sadd.s32 $0x4B00, s8;
	[dreg:$0xc] =	wrdreg s17  }
0x14: {  	s3 =	sadd.s32 $0x5E00, s3;
	s19 =	sadd.s32 $0x5280, s8;
	[dreg:$0xd] =	wrdreg s18  }
0x15: {  	s0 =	smax.u32 s0, $0x1;
	s20 =	sadd.s32 $0x5A00, s8;
	[dreg:$0xe] =	wrdreg s19  }
0x16: {  	p1 =	sne.s32 s0, $0x1;
	s21 =	sadd.s32 $0x6180, s8;
	[dreg:$0xf] =	wrdreg s20  }
0x17: {  	s1 =	sadd.s32 $0xFFFFFFFF, s0;
	s22 =	sadd.s32 $0x6900, s8;
	[dreg:$0x10] =	wrdreg s21  }
0x18: {  	s23 =	sadd.s32 $0x7080, s8;
	s25 =	sadd.s32 $0x7800, s8;
	[dreg:$0x11] =	wrdreg s22  }
0x19: {  	s26 =	sadd.s32 $0x7F80, s8;
	s6 =	sadd.s32 $0x8700, s8;
	[dreg:$0x12] =	wrdreg s23  }
0x1a: {  	s5 =	sadd.s32 $0x8E80, s8;
	s4 =	simm.s32 $0x3;
	[dreg:$0x13] =	wrdreg s25  }
0x1b: {  	s8 =	simm.s32 $0x2;
	[dreg:$0x14] =	wrdreg s26;
	s9 =	simm.s32 $0x78  }
0x1c: {  	s10 =	simm.s32 $0xC00;
	s11 =	simm.s32 $0x1;
	s26 =	simm.s32 $0x280  }
.Ltmp0:
0x1d: {  	s25 =	simm.s32 $0x300;
	s23 =	simm.s32 $0x400;
	(pc) =	sbr.rel @!p1 .LBB2_3-.Ltmp0, $4  }
0x1e: {  	s22 =	simm.s32 $0x480;
	s21 =	simm.s32 $0x500;
	s20 =	simm.s32 $0x580  }
0x1f: {  	s19 =	simm.s32 $0x600;
	s18 =	simm.s32 $0x680;
	s17 =	simm.s32 $0x700  }
0x20: {  	s16 =	simm.s32 $0x780;
	s15 =	simm.s32 $0x800;
	s14 =	simm.s32 $0x880  }
0x21: {  	s13 =	simm.s32 $0x900;
	s12 =	simm.s32 $0x980;
	s0 =	rddreg [dreg:$0x2]  }
0x22: {  	[tilespmem:s2], [sflag:$0x3] =	stream.linear.gather [hbm4b:s0+s2], $0xA00, $0x38;
	[tilespmem:$0x8400] =	vst v63  }
0x23: {  	_ =	swait.ge [sflag:s4], $0xA00  }
0x24: {  	[sflag:s4] =	ssyncset.done $0x0  }
0x25: {  	[sflag:s4] =	ssyncadd.s32 $0xFFFFF600  }
0x26: {  	[tilespmem:s10], [sflag:$0x1] =	stream.indirect.gather [hbm4b:s3+s9], $0x80, s2, s9, $0xb8;
	[tilespmem:$0x8400] =	vst v63  }
0x27: {  	_ =	swait.ge [sflag:s11], $0x3C00  }
0x28: {  	[sflag:s11] =	ssyncset.done $0x0  }
0x29: {  	[sflag:s11] =	ssyncadd.s32 $0xFFFFC400  }
0x2a: {  	[tilespmem:s7], [sflag:$0x2] =	stream.indirect.gather [hbm4b:s3+s9], $0x80, s31, s9, $0xb8;
	[tilespmem:$0x8400] =	vst v63  }
0x2b: {  	s0 =	rddreg [dreg:$0x3]  }
0x2c: {  	[hbm4b:s0+s2] =	stream.linear.scatter [tilespmem:s10], [sflag:$0x3], $0x3C00, $0x38;
	[tilespmem:$0x8400] =	vst v63  }
0x2d: {  	_ =	swait.ge [sflag:s4], $0x3C00  }
0x2e: {  	[sflag:s4] =	ssyncset.done $0x0  }
0x2f: {  	[sflag:s4] =	ssyncadd.s32 $0xFFFFC400  }
0x30: {  	_ =	swait.ge [sflag:s8], $0x3C00  }
0x31: {  	[sflag:s8] =	ssyncset.done $0x0  }
0x32: {  	[sflag:s8] =	ssyncadd.s32 $0xFFFFC400  }
0x33: {  	[tilespmem:s10], [sflag:$0x1] =	stream.indirect.gather [hbm4b:s3+s9], $0x80, s30, s9, $0xb8;
	[tilespmem:$0x8400] =	vst v63  }
0x34: {  	s0 =	rddreg [dreg:$0x4]  }
0x35: {  	[hbm4b:s0+s2] =	stream.linear.scatter [tilespmem:s7], [sflag:$0x3], $0x3C00, $0x38;
	[tilespmem:$0x8400] =	vst v63  }
0x36: {  	_ =	swait.ge [sflag:s4], $0x3C00  }
0x37: {  	[sflag:s4] =	ssyncset.done $0x0  }
0x38: {  	[sflag:s4] =	ssyncadd.s32 $0xFFFFC400  }
0x39: {  	_ =	swait.ge [sflag:s11], $0x3C00  }
0x3a: {  	[sflag:s11] =	ssyncset.done $0x0  }
0x3b: {  	[sflag:s11] =	ssyncadd.s32 $0xFFFFC400  }
0x3c: {  	[tilespmem:s7], [sflag:$0x2] =	stream.indirect.gather [hbm4b:s3+s9], $0x80, s29, s9, $0xb8;
	[tilespmem:$0x8400] =	vst v63  }
0x3d: {  	s0 =	rddreg [dreg:$0x5]  }
0x3e: {  	[hbm4b:s0+s2] =	stream.linear.scatter [tilespmem:s10], [sflag:$0x3], $0x3C00, $0x38;
	[tilespmem:$0x8400] =	vst v63  }
0x3f: {  	_ =	swait.ge [sflag:s4], $0x3C00  }
0x40: {  	[sflag:s4] =	ssyncset.done $0x0  }
0x41: {  	[sflag:s4] =	ssyncadd.s32 $0xFFFFC400  }
0x42: {  	_ =	swait.ge [sflag:s8], $0x3C00  }
0x43: {  	[sflag:s8] =	ssyncset.done $0x0  }
0x44: {  	[sflag:s8] =	ssyncadd.s32 $0xFFFFC400  }
0x45: {  	[tilespmem:s10], [sflag:$0x1] =	stream.indirect.gather [hbm4b:s3+s9], $0x80, s28, s9, $0xb8;
	[tilespmem:$0x8400] =	vst v63  }
0x46: {  	s0 =	rddreg [dreg:$0x6]  }
0x47: {  	[hbm4b:s0+s2] =	stream.linear.scatter [tilespmem:s7], [sflag:$0x3], $0x3C00, $0x38;
	[tilespmem:$0x8400] =	vst v63  }
0x48: {  	_ =	swait.ge [sflag:s4], $0x3C00  }
0x49: {  	[sflag:s4] =	ssyncset.done $0x0  }
0x4a: {  	[sflag:s4] =	ssyncadd.s32 $0xFFFFC400  }
0x4b: {  	_ =	swait.ge [sflag:s11], $0x3C00  }
0x4c: {  	[sflag:s11] =	ssyncset.done $0x0  }
0x4d: {  	[sflag:s11] =	ssyncadd.s32 $0xFFFFC400  }
0x4e: {  	[tilespmem:s7], [sflag:$0x2] =	stream.indirect.gather [hbm4b:s3+s9], $0x80, s26, s9, $0xb8;
	[tilespmem:$0x8400] =	vst v63  }
0x4f: {  	s0 =	rddreg [dreg:$0x7]  }
0x50: {  	[hbm4b:s0+s2] =	stream.linear.scatter [tilespmem:s10], [sflag:$0x3], $0x3C00, $0x38;
	[tilespmem:$0x8400] =	vst v63  }
0x51: {  	_ =	swait.ge [sflag:s4], $0x3C00  }
0x52: {  	[sflag:s4] =	ssyncset.done $0x0  }
0x53: {  	[sflag:s4] =	ssyncadd.s32 $0xFFFFC400  }
0x54: {  	_ =	swait.ge [sflag:s8], $0x3C00  }
0x55: {  	[sflag:s8] =	ssyncset.done $0x0  }
0x56: {  	[sflag:s8] =	ssyncadd.s32 $0xFFFFC400  }
0x57: {  	[tilespmem:s10], [sflag:$0x1] =	stream.indirect.gather [hbm4b:s3+s9], $0x80, s25, s9, $0xb8;
	[tilespmem:$0x8400] =	vst v63  }
0x58: {  	s0 =	rddreg [dreg:$0x8]  }
0x59: {  	[hbm4b:s0+s2] =	stream.linear.scatter [tilespmem:s7], [sflag:$0x3], $0x3C00, $0x38;
	[tilespmem:$0x8400] =	vst v63  }
0x5a: {  	_ =	swait.ge [sflag:s4], $0x3C00  }
0x5b: {  	[sflag:s4] =	ssyncset.done $0x0  }
0x5c: {  	[sflag:s4] =	ssyncadd.s32 $0xFFFFC400  }
0x5d: {  	_ =	swait.ge [sflag:s11], $0x3C00  }
0x5e: {  	[sflag:s11] =	ssyncset.done $0x0  }
0x5f: {  	[sflag:s11] =	ssyncadd.s32 $0xFFFFC400  }
0x60: {  	[tilespmem:s7], [sflag:$0x2] =	stream.indirect.gather [hbm4b:s3+s9], $0x80, s24, s9, $0xb8;
	[tilespmem:$0x8400] =	vst v63  }
0x61: {  	s0 =	rddreg [dreg:$0x9]  }
0x62: {  	[hbm4b:s0+s2] =	stream.linear.scatter [tilespmem:s10], [sflag:$0x3], $0x3C00, $0x38;
	[tilespmem:$0x8400] =	vst v63  }
0x63: {  	_ =	swait.ge [sflag:s4], $0x3C00  }
0x64: {  	[sflag:s4] =	ssyncset.done $0x0  }
0x65: {  	[sflag:s4] =	ssyncadd.s32 $0xFFFFC400  }
0x66: {  	_ =	swait.ge [sflag:s8], $0x3C00  }
0x67: {  	[sflag:s8] =	ssyncset.done $0x0  }
0x68: {  	[sflag:s8] =	ssyncadd.s32 $0xFFFFC400  }
0x69: {  	[tilespmem:s10], [sflag:$0x1] =	stream.indirect.gather [hbm4b:s3+s9], $0x80, s23, s9, $0xb8;
	[tilespmem:$0x8400] =	vst v63  }
0x6a: {  	s0 =	rddreg [dreg:$0xa]  }
0x6b: {  	[hbm4b:s0+s2] =	stream.linear.scatter [tilespmem:s7], [sflag:$0x3], $0x3C00, $0x38;
	[tilespmem:$0x8400] =	vst v63  }
0x6c: {  	_ =	swait.ge [sflag:s4], $0x3C00  }
0x6d: {  	[sflag:s4] =	ssyncset.done $0x0  }
0x6e: {  	[sflag:s4] =	ssyncadd.s32 $0xFFFFC400  }
0x6f: {  	_ =	swait.ge [sflag:s11], $0x3C00  }
0x70: {  	[sflag:s11] =	ssyncset.done $0x0  }
0x71: {  	[sflag:s11] =	ssyncadd.s32 $0xFFFFC400  }
0x72: {  	[tilespmem:s7], [sflag:$0x2] =	stream.indirect.gather [hbm4b:s3+s9], $0x80, s22, s9, $0xb8;
	[tilespmem:$0x8400] =	vst v63  }
0x73: {  	s0 =	rddreg [dreg:$0xb]  }
0x74: {  	[hbm4b:s0+s2] =	stream.linear.scatter [tilespmem:s10], [sflag:$0x3], $0x3C00, $0x38;
	[tilespmem:$0x8400] =	vst v63  }
0x75: {  	_ =	swait.ge [sflag:s4], $0x3C00  }
0x76: {  	[sflag:s4] =	ssyncset.done $0x0  }
0x77: {  	[sflag:s4] =	ssyncadd.s32 $0xFFFFC400  }
0x78: {  	_ =	swait.ge [sflag:s8], $0x3C00  }
0x79: {  	[sflag:s8] =	ssyncset.done $0x0  }
0x7a: {  	[sflag:s8] =	ssyncadd.s32 $0xFFFFC400  }
0x7b: {  	[tilespmem:s10], [sflag:$0x1] =	stream.indirect.gather [hbm4b:s3+s9], $0x80, s21, s9, $0xb8;
	[tilespmem:$0x8400] =	vst v63  }
0x7c: {  	s0 =	rddreg [dreg:$0xc]  }
0x7d: {  	[hbm4b:s0+s2] =	stream.linear.scatter [tilespmem:s7], [sflag:$0x3], $0x3C00, $0x38;
	[tilespmem:$0x8400] =	vst v63  }
0x7e: {  	_ =	swait.ge [sflag:s4], $0x3C00  }
0x7f: {  	[sflag:s4] =	ssyncset.done $0x0  }
0x80: {  	[sflag:s4] =	ssyncadd.s32 $0xFFFFC400  }
0x81: {  	_ =	swait.ge [sflag:s11], $0x3C00  }
0x82: {  	[sflag:s11] =	ssyncset.done $0x0  }
0x83: {  	[sflag:s11] =	ssyncadd.s32 $0xFFFFC400  }
0x84: {  	[tilespmem:s7], [sflag:$0x2] =	stream.indirect.gather [hbm4b:s3+s9], $0x80, s20, s9, $0xb8;
	[tilespmem:$0x8400] =	vst v63  }
0x85: {  	s0 =	rddreg [dreg:$0xd]  }
0x86: {  	[hbm4b:s0+s2] =	stream.linear.scatter [tilespmem:s10], [sflag:$0x3], $0x3C00, $0x38;
	[tilespmem:$0x8400] =	vst v63  }
0x87: {  	_ =	swait.ge [sflag:s4], $0x3C00  }
0x88: {  	[sflag:s4] =	ssyncset.done $0x0  }
0x89: {  	[sflag:s4] =	ssyncadd.s32 $0xFFFFC400  }
0x8a: {  	_ =	swait.ge [sflag:s8], $0x3C00  }
0x8b: {  	[sflag:s8] =	ssyncset.done $0x0  }
0x8c: {  	[sflag:s8] =	ssyncadd.s32 $0xFFFFC400  }
0x8d: {  	[tilespmem:s10], [sflag:$0x1] =	stream.indirect.gather [hbm4b:s3+s9], $0x80, s19, s9, $0xb8;
	[tilespmem:$0x8400] =	vst v63  }
0x8e: {  	s0 =	rddreg [dreg:$0xe]  }
0x8f: {  	[hbm4b:s0+s2] =	stream.linear.scatter [tilespmem:s7], [sflag:$0x3], $0x3C00, $0x38;
	[tilespmem:$0x8400] =	vst v63  }
0x90: {  	_ =	swait.ge [sflag:s4], $0x3C00  }
0x91: {  	[sflag:s4] =	ssyncset.done $0x0  }
0x92: {  	[sflag:s4] =	ssyncadd.s32 $0xFFFFC400  }
0x93: {  	_ =	swait.ge [sflag:s11], $0x3C00  }
0x94: {  	[sflag:s11] =	ssyncset.done $0x0  }
0x95: {  	[sflag:s11] =	ssyncadd.s32 $0xFFFFC400  }
0x96: {  	[tilespmem:s7], [sflag:$0x2] =	stream.indirect.gather [hbm4b:s3+s9], $0x80, s18, s9, $0xb8;
	[tilespmem:$0x8400] =	vst v63  }
0x97: {  	s0 =	rddreg [dreg:$0xf]  }
0x98: {  	[hbm4b:s0+s2] =	stream.linear.scatter [tilespmem:s10], [sflag:$0x3], $0x3C00, $0x38;
	[tilespmem:$0x8400] =	vst v63  }
0x99: {  	_ =	swait.ge [sflag:s4], $0x3C00  }
0x9a: {  	[sflag:s4] =	ssyncset.done $0x0  }
0x9b: {  	[sflag:s4] =	ssyncadd.s32 $0xFFFFC400  }
0x9c: {  	_ =	swait.ge [sflag:s8], $0x3C00  }
0x9d: {  	[sflag:s8] =	ssyncset.done $0x0  }
0x9e: {  	[sflag:s8] =	ssyncadd.s32 $0xFFFFC400  }
0x9f: {  	[tilespmem:s10], [sflag:$0x1] =	stream.indirect.gather [hbm4b:s3+s9], $0x80, s17, s9, $0xb8;
	[tilespmem:$0x8400] =	vst v63  }
0xa0: {  	s0 =	rddreg [dreg:$0x10]  }
0xa1: {  	[hbm4b:s0+s2] =	stream.linear.scatter [tilespmem:s7], [sflag:$0x3], $0x3C00, $0x38;
	[tilespmem:$0x8400] =	vst v63  }
0xa2: {  	_ =	swait.ge [sflag:s4], $0x3C00  }
0xa3: {  	[sflag:s4] =	ssyncset.done $0x0  }
0xa4: {  	[sflag:s4] =	ssyncadd.s32 $0xFFFFC400  }
0xa5: {  	_ =	swait.ge [sflag:s11], $0x3C00  }
0xa6: {  	[sflag:s11] =	ssyncset.done $0x0  }
0xa7: {  	[sflag:s11] =	ssyncadd.s32 $0xFFFFC400  }
0xa8: {  	[tilespmem:s7], [sflag:$0x2] =	stream.indirect.gather [hbm4b:s3+s9], $0x80, s16, s9, $0xb8;
	[tilespmem:$0x8400] =	vst v63  }
0xa9: {  	s0 =	rddreg [dreg:$0x11]  }
0xaa: {  	[hbm4b:s0+s2] =	stream.linear.scatter [tilespmem:s10], [sflag:$0x3], $0x3C00, $0x38;
	[tilespmem:$0x8400] =	vst v63  }
0xab: {  	_ =	swait.ge [sflag:s4], $0x3C00  }
0xac: {  	[sflag:s4] =	ssyncset.done $0x0  }
0xad: {  	[sflag:s4] =	ssyncadd.s32 $0xFFFFC400  }
0xae: {  	_ =	swait.ge [sflag:s8], $0x3C00  }
0xaf: {  	[sflag:s8] =	ssyncset.done $0x0  }
0xb0: {  	[sflag:s8] =	ssyncadd.s32 $0xFFFFC400  }
0xb1: {  	[tilespmem:s10], [sflag:$0x1] =	stream.indirect.gather [hbm4b:s3+s9], $0x80, s15, s9, $0xb8;
	[tilespmem:$0x8400] =	vst v63  }
0xb2: {  	s0 =	rddreg [dreg:$0x12]  }
0xb3: {  	[hbm4b:s0+s2] =	stream.linear.scatter [tilespmem:s7], [sflag:$0x3], $0x3C00, $0x38;
	[tilespmem:$0x8400] =	vst v63  }
0xb4: {  	_ =	swait.ge [sflag:s4], $0x3C00  }
0xb5: {  	[sflag:s4] =	ssyncset.done $0x0  }
0xb6: {  	[sflag:s4] =	ssyncadd.s32 $0xFFFFC400  }
0xb7: {  	_ =	swait.ge [sflag:s11], $0x3C00  }
0xb8: {  	[sflag:s11] =	ssyncset.done $0x0  }
0xb9: {  	[sflag:s11] =	ssyncadd.s32 $0xFFFFC400  }
0xba: {  	[tilespmem:s7], [sflag:$0x2] =	stream.indirect.gather [hbm4b:s3+s9], $0x80, s14, s9, $0xb8;
	[tilespmem:$0x8400] =	vst v63  }
0xbb: {  	s0 =	rddreg [dreg:$0x13]  }
0xbc: {  	[hbm4b:s0+s2] =	stream.linear.scatter [tilespmem:s10], [sflag:$0x3], $0x3C00, $0x38;
	[tilespmem:$0x8400] =	vst v63  }
0xbd: {  	_ =	swait.ge [sflag:s4], $0x3C00  }
0xbe: {  	[sflag:s4] =	ssyncset.done $0x0  }
0xbf: {  	[sflag:s4] =	ssyncadd.s32 $0xFFFFC400  }
0xc0: {  	_ =	swait.ge [sflag:s8], $0x3C00  }
0xc1: {  	[sflag:s8] =	ssyncset.done $0x0  }
0xc2: {  	[sflag:s8] =	ssyncadd.s32 $0xFFFFC400  }
0xc3: {  	[tilespmem:s10], [sflag:$0x1] =	stream.indirect.gather [hbm4b:s3+s9], $0x80, s13, s9, $0xb8;
	[tilespmem:$0x8400] =	vst v63  }
0xc4: {  	s0 =	rddreg [dreg:$0x14]  }
0xc5: {  	[hbm4b:s0+s2] =	stream.linear.scatter [tilespmem:s7], [sflag:$0x3], $0x3C00, $0x38;
	[tilespmem:$0x8400] =	vst v63  }
0xc6: {  	_ =	swait.ge [sflag:s4], $0x3C00  }
0xc7: {  	[sflag:s4] =	ssyncset.done $0x0  }
0xc8: {  	[sflag:s4] =	ssyncadd.s32 $0xFFFFC400  }
0xc9: {  	_ =	swait.ge [sflag:s11], $0x3C00  }
0xca: {  	[sflag:s11] =	ssyncset.done $0x0  }
0xcb: {  	[sflag:s11] =	ssyncadd.s32 $0xFFFFC400  }
0xcc: {  	[tilespmem:s7], [sflag:$0x2] =	stream.indirect.gather [hbm4b:s3+s9], $0x80, s12, s9, $0xb8;
	[tilespmem:$0x8400] =	vst v63  }
0xcd: {  	_ = 	snop  }
0xce: {  	[hbm4b:s6+s2] =	stream.linear.scatter [tilespmem:s10], [sflag:$0x3], $0x3C00, $0x38;
	[tilespmem:$0x8400] =	vst v63  }
0xcf: {  	_ =	swait.ge [sflag:s4], $0x3C00  }
0xd0: {  	[sflag:s4] =	ssyncset.done $0x0  }
0xd1: {  	[sflag:s4] =	ssyncadd.s32 $0xFFFFC400  }
0xd2: {  	p1 =	sne.s32 s1, $0x1;
	_ =	swait.ge [sflag:s8], $0x3C00  }
.Ltmp1:
0xd3: {  	[sflag:s8] =	ssyncset.done $0x0;
	(pc) =	sbr.rel @!p1 .LBB2_3-.Ltmp1, $4  }
0xd4: {  	[sflag:s8] =	ssyncadd.s32 $0xFFFFC400  }
0xd5: {  	[hbm4b:s5+s2] =	stream.linear.scatter [tilespmem:s7], [sflag:$0x3], $0x3C00, $0x38;
	[tilespmem:$0x8400] =	vst v63  }
0xd6: {  	s1 =	sadd.s32 $0xFFFFFFFF, s1;
	_ =	swait.ge [sflag:s4], $0x3C00  }
0xd7: {  	p0 =	por $0x1, $0x1;
	s0 =	rddreg [dreg:$0x2];
	[sflag:s4] =	ssyncset.done $0x0  }
.LBB2_2:
0xd8: {  	[sflag:s4] =	ssyncadd.s32 $0xFFFFC400  }
0xd9: {  	[tilespmem:s2], [sflag:$0x3] =	stream.linear.gather [hbm4b:s0+s2], $0xA00, $0x38;
	[tilespmem:$0x8400] =	vst v63  }
0xda: {  	_ =	swait.ge [sflag:s4], $0xA00  }
0xdb: {  	[sflag:s4] =	ssyncset.done $0x0  }
0xdc: {  	[sflag:s4] =	ssyncadd.s32 $0xFFFFF600  }
0xdd: {  	[tilespmem:s10], [sflag:$0x1] =	stream.indirect.gather [hbm4b:s3+s9], $0x80, s2, s9, $0xb8;
	[tilespmem:$0x8400] =	vst v63  }
0xde: {  	_ =	swait.ge [sflag:s11], $0x3C00  }
0xdf: {  	[sflag:s11] =	ssyncset.done $0x0  }
0xe0: {  	[sflag:s11] =	ssyncadd.s32 $0xFFFFC400  }
0xe1: {  	[tilespmem:s7], [sflag:$0x2] =	stream.indirect.gather [hbm4b:s3+s9], $0x80, s31, s9, $0xb8;
	[tilespmem:$0x8400] =	vst v63  }
0xe2: {  	s0 =	rddreg [dreg:$0x3]  }
0xe3: {  	[hbm4b:s0+s2] =	stream.linear.scatter [tilespmem:s10], [sflag:$0x3], $0x3C00, $0x38;
	[tilespmem:$0x8400] =	vst v63  }
0xe4: {  	_ =	swait.ge [sflag:s4], $0x3C00  }
0xe5: {  	[sflag:s4] =	ssyncset.done $0x0  }
0xe6: {  	[sflag:s4] =	ssyncadd.s32 $0xFFFFC400  }
0xe7: {  	_ =	swait.ge [sflag:s8], $0x3C00  }
0xe8: {  	[sflag:s8] =	ssyncset.done $0x0  }
0xe9: {  	[sflag:s8] =	ssyncadd.s32 $0xFFFFC400  }
0xea: {  	[tilespmem:s10], [sflag:$0x1] =	stream.indirect.gather [hbm4b:s3+s9], $0x80, s30, s9, $0xb8;
	[tilespmem:$0x8400] =	vst v63  }
0xeb: {  	s0 =	rddreg [dreg:$0x4]  }
0xec: {  	[hbm4b:s0+s2] =	stream.linear.scatter [tilespmem:s7], [sflag:$0x3], $0x3C00, $0x38;
	[tilespmem:$0x8400] =	vst v63  }
0xed: {  	_ =	swait.ge [sflag:s4], $0x3C00  }
0xee: {  	[sflag:s4] =	ssyncset.done $0x0  }
0xef: {  	[sflag:s4] =	ssyncadd.s32 $0xFFFFC400  }
0xf0: {  	_ =	swait.ge [sflag:s11], $0x3C00  }
0xf1: {  	[sflag:s11] =	ssyncset.done $0x0  }
0xf2: {  	[sflag:s11] =	ssyncadd.s32 $0xFFFFC400  }
0xf3: {  	[tilespmem:s7], [sflag:$0x2] =	stream.indirect.gather [hbm4b:s3+s9], $0x80, s29, s9, $0xb8;
	[tilespmem:$0x8400] =	vst v63  }
0xf4: {  	s0 =	rddreg [dreg:$0x5]  }
0xf5: {  	[hbm4b:s0+s2] =	stream.linear.scatter [tilespmem:s10], [sflag:$0x3], $0x3C00, $0x38;
	[tilespmem:$0x8400] =	vst v63  }
0xf6: {  	_ =	swait.ge [sflag:s4], $0x3C00  }
0xf7: {  	[sflag:s4] =	ssyncset.done $0x0  }
0xf8: {  	[sflag:s4] =	ssyncadd.s32 $0xFFFFC400  }
0xf9: {  	_ =	swait.ge [sflag:s8], $0x3C00  }
0xfa: {  	[sflag:s8] =	ssyncset.done $0x0  }
0xfb: {  	[sflag:s8] =	ssyncadd.s32 $0xFFFFC400  }
0xfc: {  	[tilespmem:s10], [sflag:$0x1] =	stream.indirect.gather [hbm4b:s3+s9], $0x80, s28, s9, $0xb8;
	[tilespmem:$0x8400] =	vst v63  }
0xfd: {  	s0 =	rddreg [dreg:$0x6]  }
0xfe: {  	[hbm4b:s0+s2] =	stream.linear.scatter [tilespmem:s7], [sflag:$0x3], $0x3C00, $0x38;
	[tilespmem:$0x8400] =	vst v63  }
0xff: {  	_ =	swait.ge [sflag:s4], $0x3C00  }
0x100: {  	[sflag:s4] =	ssyncset.done $0x0  }
0x101: {  	[sflag:s4] =	ssyncadd.s32 $0xFFFFC400  }
0x102: {  	_ =	swait.ge [sflag:s11], $0x3C00  }
0x103: {  	[sflag:s11] =	ssyncset.done $0x0  }
0x104: {  	[sflag:s11] =	ssyncadd.s32 $0xFFFFC400  }
0x105: {  	[tilespmem:s7], [sflag:$0x2] =	stream.indirect.gather [hbm4b:s3+s9], $0x80, s26, s9, $0xb8;
	[tilespmem:$0x8400] =	vst v63  }
0x106: {  	s0 =	rddreg [dreg:$0x7]  }
0x107: {  	[hbm4b:s0+s2] =	stream.linear.scatter [tilespmem:s10], [sflag:$0x3], $0x3C00, $0x38;
	[tilespmem:$0x8400] =	vst v63  }
0x108: {  	_ =	swait.ge [sflag:s4], $0x3C00  }
0x109: {  	[sflag:s4] =	ssyncset.done $0x0  }
0x10a: {  	[sflag:s4] =	ssyncadd.s32 $0xFFFFC400  }
0x10b: {  	_ =	swait.ge [sflag:s8], $0x3C00  }
0x10c: {  	[sflag:s8] =	ssyncset.done $0x0  }
0x10d: {  	[sflag:s8] =	ssyncadd.s32 $0xFFFFC400  }
0x10e: {  	[tilespmem:s10], [sflag:$0x1] =	stream.indirect.gather [hbm4b:s3+s9], $0x80, s25, s9, $0xb8;
	[tilespmem:$0x8400] =	vst v63  }
0x10f: {  	s0 =	rddreg [dreg:$0x8]  }
0x110: {  	[hbm4b:s0+s2] =	stream.linear.scatter [tilespmem:s7], [sflag:$0x3], $0x3C00, $0x38;
	[tilespmem:$0x8400] =	vst v63  }
0x111: {  	_ =	swait.ge [sflag:s4], $0x3C00  }
0x112: {  	[sflag:s4] =	ssyncset.done $0x0  }
0x113: {  	[sflag:s4] =	ssyncadd.s32 $0xFFFFC400  }
0x114: {  	_ =	swait.ge [sflag:s11], $0x3C00  }
0x115: {  	[sflag:s11] =	ssyncset.done $0x0  }
0x116: {  	[sflag:s11] =	ssyncadd.s32 $0xFFFFC400  }
0x117: {  	[tilespmem:s7], [sflag:$0x2] =	stream.indirect.gather [hbm4b:s3+s9], $0x80, s24, s9, $0xb8;
	[tilespmem:$0x8400] =	vst v63  }
0x118: {  	s0 =	rddreg [dreg:$0x9]  }
0x119: {  	[hbm4b:s0+s2] =	stream.linear.scatter [tilespmem:s10], [sflag:$0x3], $0x3C00, $0x38;
	[tilespmem:$0x8400] =	vst v63  }
0x11a: {  	_ =	swait.ge [sflag:s4], $0x3C00  }
0x11b: {  	[sflag:s4] =	ssyncset.done $0x0  }
0x11c: {  	[sflag:s4] =	ssyncadd.s32 $0xFFFFC400  }
0x11d: {  	_ =	swait.ge [sflag:s8], $0x3C00  }
0x11e: {  	[sflag:s8] =	ssyncset.done $0x0  }
0x11f: {  	[sflag:s8] =	ssyncadd.s32 $0xFFFFC400  }
0x120: {  	[tilespmem:s10], [sflag:$0x1] =	stream.indirect.gather [hbm4b:s3+s9], $0x80, s23, s9, $0xb8;
	[tilespmem:$0x8400] =	vst v63  }
0x121: {  	s0 =	rddreg [dreg:$0xa]  }
0x122: {  	[hbm4b:s0+s2] =	stream.linear.scatter [tilespmem:s7], [sflag:$0x3], $0x3C00, $0x38;
	[tilespmem:$0x8400] =	vst v63  }
0x123: {  	_ =	swait.ge [sflag:s4], $0x3C00  }
0x124: {  	[sflag:s4] =	ssyncset.done $0x0  }
0x125: {  	[sflag:s4] =	ssyncadd.s32 $0xFFFFC400  }
0x126: {  	_ =	swait.ge [sflag:s11], $0x3C00  }
0x127: {  	[sflag:s11] =	ssyncset.done $0x0  }
0x128: {  	[sflag:s11] =	ssyncadd.s32 $0xFFFFC400  }
0x129: {  	[tilespmem:s7], [sflag:$0x2] =	stream.indirect.gather [hbm4b:s3+s9], $0x80, s22, s9, $0xb8;
	[tilespmem:$0x8400] =	vst v63  }
0x12a: {  	s0 =	rddreg [dreg:$0xb]  }
0x12b: {  	[hbm4b:s0+s2] =	stream.linear.scatter [tilespmem:s10], [sflag:$0x3], $0x3C00, $0x38;
	[tilespmem:$0x8400] =	vst v63  }
0x12c: {  	_ =	swait.ge [sflag:s4], $0x3C00  }
0x12d: {  	[sflag:s4] =	ssyncset.done $0x0  }
0x12e: {  	[sflag:s4] =	ssyncadd.s32 $0xFFFFC400  }
0x12f: {  	_ =	swait.ge [sflag:s8], $0x3C00  }
0x130: {  	[sflag:s8] =	ssyncset.done $0x0  }
0x131: {  	[sflag:s8] =	ssyncadd.s32 $0xFFFFC400  }
0x132: {  	[tilespmem:s10], [sflag:$0x1] =	stream.indirect.gather [hbm4b:s3+s9], $0x80, s21, s9, $0xb8;
	[tilespmem:$0x8400] =	vst v63  }
0x133: {  	s0 =	rddreg [dreg:$0xc]  }
0x134: {  	[hbm4b:s0+s2] =	stream.linear.scatter [tilespmem:s7], [sflag:$0x3], $0x3C00, $0x38;
	[tilespmem:$0x8400] =	vst v63  }
0x135: {  	_ =	swait.ge [sflag:s4], $0x3C00  }
0x136: {  	[sflag:s4] =	ssyncset.done $0x0  }
0x137: {  	[sflag:s4] =	ssyncadd.s32 $0xFFFFC400  }
0x138: {  	_ =	swait.ge [sflag:s11], $0x3C00  }
0x139: {  	[sflag:s11] =	ssyncset.done $0x0  }
0x13a: {  	[sflag:s11] =	ssyncadd.s32 $0xFFFFC400  }
0x13b: {  	[tilespmem:s7], [sflag:$0x2] =	stream.indirect.gather [hbm4b:s3+s9], $0x80, s20, s9, $0xb8;
	[tilespmem:$0x8400] =	vst v63  }
0x13c: {  	s0 =	rddreg [dreg:$0xd]  }
0x13d: {  	[hbm4b:s0+s2] =	stream.linear.scatter [tilespmem:s10], [sflag:$0x3], $0x3C00, $0x38;
	[tilespmem:$0x8400] =	vst v63  }
0x13e: {  	_ =	swait.ge [sflag:s4], $0x3C00  }
0x13f: {  	[sflag:s4] =	ssyncset.done $0x0  }
0x140: {  	[sflag:s4] =	ssyncadd.s32 $0xFFFFC400  }
0x141: {  	_ =	swait.ge [sflag:s8], $0x3C00  }
0x142: {  	[sflag:s8] =	ssyncset.done $0x0  }
0x143: {  	[sflag:s8] =	ssyncadd.s32 $0xFFFFC400  }
0x144: {  	[tilespmem:s10], [sflag:$0x1] =	stream.indirect.gather [hbm4b:s3+s9], $0x80, s19, s9, $0xb8;
	[tilespmem:$0x8400] =	vst v63  }
0x145: {  	s0 =	rddreg [dreg:$0xe]  }
0x146: {  	[hbm4b:s0+s2] =	stream.linear.scatter [tilespmem:s7], [sflag:$0x3], $0x3C00, $0x38;
	[tilespmem:$0x8400] =	vst v63  }
0x147: {  	_ =	swait.ge [sflag:s4], $0x3C00  }
0x148: {  	[sflag:s4] =	ssyncset.done $0x0  }
0x149: {  	[sflag:s4] =	ssyncadd.s32 $0xFFFFC400  }
0x14a: {  	_ =	swait.ge [sflag:s11], $0x3C00  }
0x14b: {  	[sflag:s11] =	ssyncset.done $0x0  }
0x14c: {  	[sflag:s11] =	ssyncadd.s32 $0xFFFFC400  }
0x14d: {  	[tilespmem:s7], [sflag:$0x2] =	stream.indirect.gather [hbm4b:s3+s9], $0x80, s18, s9, $0xb8;
	[tilespmem:$0x8400] =	vst v63  }
0x14e: {  	s0 =	rddreg [dreg:$0xf]  }
0x14f: {  	[hbm4b:s0+s2] =	stream.linear.scatter [tilespmem:s10], [sflag:$0x3], $0x3C00, $0x38;
	[tilespmem:$0x8400] =	vst v63  }
0x150: {  	_ =	swait.ge [sflag:s4], $0x3C00  }
0x151: {  	[sflag:s4] =	ssyncset.done $0x0  }
0x152: {  	[sflag:s4] =	ssyncadd.s32 $0xFFFFC400  }
0x153: {  	_ =	swait.ge [sflag:s8], $0x3C00  }
0x154: {  	[sflag:s8] =	ssyncset.done $0x0  }
0x155: {  	[sflag:s8] =	ssyncadd.s32 $0xFFFFC400  }
0x156: {  	[tilespmem:s10], [sflag:$0x1] =	stream.indirect.gather [hbm4b:s3+s9], $0x80, s17, s9, $0xb8;
	[tilespmem:$0x8400] =	vst v63  }
0x157: {  	s0 =	rddreg [dreg:$0x10]  }
0x158: {  	[hbm4b:s0+s2] =	stream.linear.scatter [tilespmem:s7], [sflag:$0x3], $0x3C00, $0x38;
	[tilespmem:$0x8400] =	vst v63  }
0x159: {  	_ =	swait.ge [sflag:s4], $0x3C00  }
0x15a: {  	[sflag:s4] =	ssyncset.done $0x0  }
0x15b: {  	[sflag:s4] =	ssyncadd.s32 $0xFFFFC400  }
0x15c: {  	_ =	swait.ge [sflag:s11], $0x3C00  }
0x15d: {  	[sflag:s11] =	ssyncset.done $0x0  }
0x15e: {  	[sflag:s11] =	ssyncadd.s32 $0xFFFFC400  }
0x15f: {  	[tilespmem:s7], [sflag:$0x2] =	stream.indirect.gather [hbm4b:s3+s9], $0x80, s16, s9, $0xb8;
	[tilespmem:$0x8400] =	vst v63  }
0x160: {  	s0 =	rddreg [dreg:$0x11]  }
0x161: {  	[hbm4b:s0+s2] =	stream.linear.scatter [tilespmem:s10], [sflag:$0x3], $0x3C00, $0x38;
	[tilespmem:$0x8400] =	vst v63  }
0x162: {  	_ =	swait.ge [sflag:s4], $0x3C00  }
0x163: {  	[sflag:s4] =	ssyncset.done $0x0  }
0x164: {  	[sflag:s4] =	ssyncadd.s32 $0xFFFFC400  }
0x165: {  	_ =	swait.ge [sflag:s8], $0x3C00  }
0x166: {  	[sflag:s8] =	ssyncset.done $0x0  }
0x167: {  	[sflag:s8] =	ssyncadd.s32 $0xFFFFC400  }
0x168: {  	[tilespmem:s10], [sflag:$0x1] =	stream.indirect.gather [hbm4b:s3+s9], $0x80, s15, s9, $0xb8;
	[tilespmem:$0x8400] =	vst v63  }
0x169: {  	s0 =	rddreg [dreg:$0x12]  }
0x16a: {  	[hbm4b:s0+s2] =	stream.linear.scatter [tilespmem:s7], [sflag:$0x3], $0x3C00, $0x38;
	[tilespmem:$0x8400] =	vst v63  }
0x16b: {  	_ =	swait.ge [sflag:s4], $0x3C00  }
0x16c: {  	[sflag:s4] =	ssyncset.done $0x0  }
0x16d: {  	[sflag:s4] =	ssyncadd.s32 $0xFFFFC400  }
0x16e: {  	_ =	swait.ge [sflag:s11], $0x3C00  }
0x16f: {  	[sflag:s11] =	ssyncset.done $0x0  }
0x170: {  	[sflag:s11] =	ssyncadd.s32 $0xFFFFC400  }
0x171: {  	[tilespmem:s7], [sflag:$0x2] =	stream.indirect.gather [hbm4b:s3+s9], $0x80, s14, s9, $0xb8;
	[tilespmem:$0x8400] =	vst v63  }
0x172: {  	s0 =	rddreg [dreg:$0x13]  }
0x173: {  	[hbm4b:s0+s2] =	stream.linear.scatter [tilespmem:s10], [sflag:$0x3], $0x3C00, $0x38;
	[tilespmem:$0x8400] =	vst v63  }
0x174: {  	_ =	swait.ge [sflag:s4], $0x3C00  }
0x175: {  	[sflag:s4] =	ssyncset.done $0x0  }
0x176: {  	[sflag:s4] =	ssyncadd.s32 $0xFFFFC400  }
0x177: {  	_ =	swait.ge [sflag:s8], $0x3C00  }
0x178: {  	[sflag:s8] =	ssyncset.done $0x0  }
0x179: {  	[sflag:s8] =	ssyncadd.s32 $0xFFFFC400  }
0x17a: {  	[tilespmem:s10], [sflag:$0x1] =	stream.indirect.gather [hbm4b:s3+s9], $0x80, s13, s9, $0xb8;
	[tilespmem:$0x8400] =	vst v63  }
0x17b: {  	s0 =	rddreg [dreg:$0x14]  }
0x17c: {  	[hbm4b:s0+s2] =	stream.linear.scatter [tilespmem:s7], [sflag:$0x3], $0x3C00, $0x38;
	[tilespmem:$0x8400] =	vst v63  }
0x17d: {  	_ =	swait.ge [sflag:s4], $0x3C00  }
0x17e: {  	[sflag:s4] =	ssyncset.done $0x0  }
0x17f: {  	[sflag:s4] =	ssyncadd.s32 $0xFFFFC400  }
0x180: {  	_ =	swait.ge [sflag:s11], $0x3C00  }
0x181: {  	[sflag:s11] =	ssyncset.done $0x0  }
0x182: {  	[sflag:s11] =	ssyncadd.s32 $0xFFFFC400  }
0x183: {  	[tilespmem:s7], [sflag:$0x2] =	stream.indirect.gather [hbm4b:s3+s9], $0x80, s12, s9, $0xb8;
	[tilespmem:$0x8400] =	vst v63  }
0x184: {  	_ = 	snop  }
0x185: {  	[hbm4b:s6+s2] =	stream.linear.scatter [tilespmem:s10], [sflag:$0x3], $0x3C00, $0x38;
	[tilespmem:$0x8400] =	vst v63  }
0x186: {  	_ =	swait.ge [sflag:s4], $0x3C00  }
0x187: {  	[sflag:s4] =	ssyncset.done $0x0  }
0x188: {  	[sflag:s4] =	ssyncadd.s32 $0xFFFFC400  }
0x189: {  	p1 =	sne.s32 s1, $0x1;
	_ =	swait.ge [sflag:s8], $0x3C00  }
.Ltmp2:
0x18a: {  	[sflag:s8] =	ssyncset.done $0x0;
	(pc) =	sbr.rel @p1 .LBB2_2-.Ltmp2, $4  }
0x18b: {  	[sflag:s8] =	ssyncadd.s32 $0xFFFFC400  }
0x18c: {  	[hbm4b:s5+s2] =	stream.linear.scatter [tilespmem:s7], [sflag:$0x3], $0x3C00, $0x38;
	[tilespmem:$0x8400] =	vst v63  }
0x18d: {  	_ =	swait.ge [sflag:s4], $0x3C00  }
0x18e: {  	s1 =	sadd.s32 $0xFFFFFFFF, s1;
	s0 =	rddreg [dreg:$0x2];
	[sflag:s4] =	ssyncset.done $0x0  }
.LBB2_3:
0x18f: {  	[sflag:s4] =	ssyncadd.s32 @p0 $0xFFFFC400  }
0x190: {  	[tilespmem:s2], [sflag:$0x3] =	stream.linear.gather [hbm4b:s0+s2], $0xA00, $0x38;
	[tilespmem:$0x8400] =	vst v63  }
0x191: {  	_ =	swait.ge [sflag:s4], $0xA00  }
0x192: {  	[sflag:s4] =	ssyncset.done $0x0  }
0x193: {  	[sflag:s4] =	ssyncadd.s32 $0xFFFFF600  }
0x194: {  	[tilespmem:s10], [sflag:$0x1] =	stream.indirect.gather [hbm4b:s3+s9], $0x80, s2, s9, $0xb8;
	[tilespmem:$0x8400] =	vst v63  }
0x195: {  	_ =	swait.ge [sflag:s11], $0x3C00  }
0x196: {  	[sflag:s11] =	ssyncset.done $0x0  }
0x197: {  	[sflag:s11] =	ssyncadd.s32 $0xFFFFC400  }
0x198: {  	[tilespmem:s7], [sflag:$0x2] =	stream.indirect.gather [hbm4b:s3+s9], $0x80, s31, s9, $0xb8;
	[tilespmem:$0x8400] =	vst v63  }
0x199: {  	s1 =	rddreg [dreg:$0x3]  }
0x19a: {  	[hbm4b:s1+s2] =	stream.linear.scatter [tilespmem:s10], [sflag:$0x3], $0x3C00, $0x38;
	[tilespmem:$0x8400] =	vst v63  }
0x19b: {  	_ =	swait.ge [sflag:s4], $0x3C00  }
0x19c: {  	[sflag:s4] =	ssyncset.done $0x0  }
0x19d: {  	[sflag:s4] =	ssyncadd.s32 $0xFFFFC400  }
0x19e: {  	_ =	swait.ge [sflag:s8], $0x3C00  }
0x19f: {  	[sflag:s8] =	ssyncset.done $0x0  }
0x1a0: {  	[sflag:s8] =	ssyncadd.s32 $0xFFFFC400  }
0x1a1: {  	[tilespmem:s10], [sflag:$0x1] =	stream.indirect.gather [hbm4b:s3+s9], $0x80, s30, s9, $0xb8;
	[tilespmem:$0x8400] =	vst v63  }
0x1a2: {  	s1 =	rddreg [dreg:$0x4]  }
0x1a3: {  	[hbm4b:s1+s2] =	stream.linear.scatter [tilespmem:s7], [sflag:$0x3], $0x3C00, $0x38;
	[tilespmem:$0x8400] =	vst v63  }
0x1a4: {  	_ =	swait.ge [sflag:s4], $0x3C00  }
0x1a5: {  	[sflag:s4] =	ssyncset.done $0x0  }
0x1a6: {  	[sflag:s4] =	ssyncadd.s32 $0xFFFFC400  }
0x1a7: {  	_ =	swait.ge [sflag:s11], $0x3C00  }
0x1a8: {  	[sflag:s11] =	ssyncset.done $0x0  }
0x1a9: {  	[sflag:s11] =	ssyncadd.s32 $0xFFFFC400  }
0x1aa: {  	[tilespmem:s7], [sflag:$0x2] =	stream.indirect.gather [hbm4b:s3+s9], $0x80, s29, s9, $0xb8;
	[tilespmem:$0x8400] =	vst v63  }
0x1ab: {  	s30 =	rddreg [dreg:$0x5]  }
0x1ac: {  	[hbm4b:s30+s2] =	stream.linear.scatter [tilespmem:s10], [sflag:$0x3], $0x3C00, $0x38;
	[tilespmem:$0x8400] =	vst v63  }
0x1ad: {  	_ =	swait.ge [sflag:s4], $0x3C00  }
0x1ae: {  	[sflag:s4] =	ssyncset.done $0x0  }
0x1af: {  	[sflag:s4] =	ssyncadd.s32 $0xFFFFC400  }
0x1b0: {  	_ =	swait.ge [sflag:s8], $0x3C00  }
0x1b1: {  	[sflag:s8] =	ssyncset.done $0x0  }
0x1b2: {  	[sflag:s8] =	ssyncadd.s32 $0xFFFFC400  }
0x1b3: {  	[tilespmem:s10], [sflag:$0x1] =	stream.indirect.gather [hbm4b:s3+s9], $0x80, s28, s9, $0xb8;
	[tilespmem:$0x8400] =	vst v63  }
0x1b4: {  	s31 =	rddreg [dreg:$0x6]  }
0x1b5: {  	[hbm4b:s31+s2] =	stream.linear.scatter [tilespmem:s7], [sflag:$0x3], $0x3C00, $0x38;
	[tilespmem:$0x8400] =	vst v63  }
0x1b6: {  	_ =	swait.ge [sflag:s4], $0x3C00  }
0x1b7: {  	[sflag:s4] =	ssyncset.done $0x0  }
0x1b8: {  	[sflag:s4] =	ssyncadd.s32 $0xFFFFC400  }
0x1b9: {  	_ =	swait.ge [sflag:s11], $0x3C00  }
0x1ba: {  	[sflag:s11] =	ssyncset.done $0x0  }
0x1bb: {  	[sflag:s11] =	ssyncadd.s32 $0xFFFFC400  }
0x1bc: {  	[tilespmem:s7], [sflag:$0x2] =	stream.indirect.gather [hbm4b:s3+s9], $0x80, s26, s9, $0xb8;
	[tilespmem:$0x8400] =	vst v63  }
0x1bd: {  	s1 =	rddreg [dreg:$0x7]  }
0x1be: {  	[hbm4b:s1+s2] =	stream.linear.scatter [tilespmem:s10], [sflag:$0x3], $0x3C00, $0x38;
	[tilespmem:$0x8400] =	vst v63  }
0x1bf: {  	_ =	swait.ge [sflag:s4], $0x3C00  }
0x1c0: {  	[sflag:s4] =	ssyncset.done $0x0  }
0x1c1: {  	[sflag:s4] =	ssyncadd.s32 $0xFFFFC400  }
0x1c2: {  	_ =	swait.ge [sflag:s8], $0x3C00  }
0x1c3: {  	[sflag:s8] =	ssyncset.done $0x0  }
0x1c4: {  	[sflag:s8] =	ssyncadd.s32 $0xFFFFC400  }
0x1c5: {  	[tilespmem:s10], [sflag:$0x1] =	stream.indirect.gather [hbm4b:s3+s9], $0x80, s25, s9, $0xb8;
	[tilespmem:$0x8400] =	vst v63  }
0x1c6: {  	s28 =	rddreg [dreg:$0x8]  }
0x1c7: {  	[hbm4b:s28+s2] =	stream.linear.scatter [tilespmem:s7], [sflag:$0x3], $0x3C00, $0x38;
	[tilespmem:$0x8400] =	vst v63  }
0x1c8: {  	_ =	swait.ge [sflag:s4], $0x3C00  }
0x1c9: {  	[sflag:s4] =	ssyncset.done $0x0  }
0x1ca: {  	[sflag:s4] =	ssyncadd.s32 $0xFFFFC400  }
0x1cb: {  	_ =	swait.ge [sflag:s11], $0x3C00  }
0x1cc: {  	[sflag:s11] =	ssyncset.done $0x0  }
0x1cd: {  	[sflag:s11] =	ssyncadd.s32 $0xFFFFC400  }
0x1ce: {  	[tilespmem:s7], [sflag:$0x2] =	stream.indirect.gather [hbm4b:s3+s9], $0x80, s24, s9, $0xb8;
	[tilespmem:$0x8400] =	vst v63  }
0x1cf: {  	s29 =	rddreg [dreg:$0x9]  }
0x1d0: {  	[hbm4b:s29+s2] =	stream.linear.scatter [tilespmem:s10], [sflag:$0x3], $0x3C00, $0x38;
	[tilespmem:$0x8400] =	vst v63  }
0x1d1: {  	_ =	swait.ge [sflag:s4], $0x3C00  }
0x1d2: {  	[sflag:s4] =	ssyncset.done $0x0  }
0x1d3: {  	[sflag:s4] =	ssyncadd.s32 $0xFFFFC400  }
0x1d4: {  	_ =	swait.ge [sflag:s8], $0x3C00  }
0x1d5: {  	[sflag:s8] =	ssyncset.done $0x0  }
0x1d6: {  	[sflag:s8] =	ssyncadd.s32 $0xFFFFC400  }
0x1d7: {  	[tilespmem:s10], [sflag:$0x1] =	stream.indirect.gather [hbm4b:s3+s9], $0x80, s23, s9, $0xb8;
	[tilespmem:$0x8400] =	vst v63  }
0x1d8: {  	s30 =	rddreg [dreg:$0xa]  }
0x1d9: {  	[hbm4b:s30+s2] =	stream.linear.scatter [tilespmem:s7], [sflag:$0x3], $0x3C00, $0x38;
	[tilespmem:$0x8400] =	vst v63  }
0x1da: {  	_ =	swait.ge [sflag:s4], $0x3C00  }
0x1db: {  	[sflag:s4] =	ssyncset.done $0x0  }
0x1dc: {  	[sflag:s4] =	ssyncadd.s32 $0xFFFFC400  }
0x1dd: {  	_ =	swait.ge [sflag:s11], $0x3C00  }
0x1de: {  	[sflag:s11] =	ssyncset.done $0x0  }
0x1df: {  	[sflag:s11] =	ssyncadd.s32 $0xFFFFC400  }
0x1e0: {  	[tilespmem:s7], [sflag:$0x2] =	stream.indirect.gather [hbm4b:s3+s9], $0x80, s22, s9, $0xb8;
	[tilespmem:$0x8400] =	vst v63  }
0x1e1: {  	s31 =	rddreg [dreg:$0xb]  }
0x1e2: {  	[hbm4b:s31+s2] =	stream.linear.scatter [tilespmem:s10], [sflag:$0x3], $0x3C00, $0x38;
	[tilespmem:$0x8400] =	vst v63  }
0x1e3: {  	_ =	swait.ge [sflag:s4], $0x3C00  }
0x1e4: {  	[sflag:s4] =	ssyncset.done $0x0  }
0x1e5: {  	[sflag:s4] =	ssyncadd.s32 $0xFFFFC400  }
0x1e6: {  	_ =	swait.ge [sflag:s8], $0x3C00  }
0x1e7: {  	[sflag:s8] =	ssyncset.done $0x0  }
0x1e8: {  	[sflag:s8] =	ssyncadd.s32 $0xFFFFC400  }
0x1e9: {  	[tilespmem:s10], [sflag:$0x1] =	stream.indirect.gather [hbm4b:s3+s9], $0x80, s21, s9, $0xb8;
	[tilespmem:$0x8400] =	vst v63  }
0x1ea: {  	s1 =	rddreg [dreg:$0xc]  }
0x1eb: {  	[hbm4b:s1+s2] =	stream.linear.scatter [tilespmem:s7], [sflag:$0x3], $0x3C00, $0x38;
	[tilespmem:$0x8400] =	vst v63  }
0x1ec: {  	_ =	swait.ge [sflag:s4], $0x3C00  }
0x1ed: {  	[sflag:s4] =	ssyncset.done $0x0  }
0x1ee: {  	[sflag:s4] =	ssyncadd.s32 $0xFFFFC400  }
0x1ef: {  	_ =	swait.ge [sflag:s11], $0x3C00  }
0x1f0: {  	[sflag:s11] =	ssyncset.done $0x0  }
0x1f1: {  	[sflag:s11] =	ssyncadd.s32 $0xFFFFC400  }
0x1f2: {  	[tilespmem:s7], [sflag:$0x2] =	stream.indirect.gather [hbm4b:s3+s9], $0x80, s20, s9, $0xb8;
	[tilespmem:$0x8400] =	vst v63  }
0x1f3: {  	s22 =	rddreg [dreg:$0xd]  }
0x1f4: {  	[hbm4b:s22+s2] =	stream.linear.scatter [tilespmem:s10], [sflag:$0x3], $0x3C00, $0x38;
	[tilespmem:$0x8400] =	vst v63  }
0x1f5: {  	_ =	swait.ge [sflag:s4], $0x3C00  }
0x1f6: {  	[sflag:s4] =	ssyncset.done $0x0  }
0x1f7: {  	[sflag:s4] =	ssyncadd.s32 $0xFFFFC400  }
0x1f8: {  	_ =	swait.ge [sflag:s8], $0x3C00  }
0x1f9: {  	[sflag:s8] =	ssyncset.done $0x0  }
0x1fa: {  	[sflag:s8] =	ssyncadd.s32 $0xFFFFC400  }
0x1fb: {  	[tilespmem:s10], [sflag:$0x1] =	stream.indirect.gather [hbm4b:s3+s9], $0x80, s19, s9, $0xb8;
	[tilespmem:$0x8400] =	vst v63  }
0x1fc: {  	s23 =	rddreg [dreg:$0xe]  }
0x1fd: {  	[hbm4b:s23+s2] =	stream.linear.scatter [tilespmem:s7], [sflag:$0x3], $0x3C00, $0x38;
	[tilespmem:$0x8400] =	vst v63  }
0x1fe: {  	_ =	swait.ge [sflag:s4], $0x3C00  }
0x1ff: {  	[sflag:s4] =	ssyncset.done $0x0  }
0x200: {  	[sflag:s4] =	ssyncadd.s32 $0xFFFFC400  }
0x201: {  	_ =	swait.ge [sflag:s11], $0x3C00  }
0x202: {  	[sflag:s11] =	ssyncset.done $0x0  }
0x203: {  	[sflag:s11] =	ssyncadd.s32 $0xFFFFC400  }
0x204: {  	[tilespmem:s7], [sflag:$0x2] =	stream.indirect.gather [hbm4b:s3+s9], $0x80, s18, s9, $0xb8;
	[tilespmem:$0x8400] =	vst v63  }
0x205: {  	s24 =	rddreg [dreg:$0xf]  }
0x206: {  	[hbm4b:s24+s2] =	stream.linear.scatter [tilespmem:s10], [sflag:$0x3], $0x3C00, $0x38;
	[tilespmem:$0x8400] =	vst v63  }
0x207: {  	_ =	swait.ge [sflag:s4], $0x3C00  }
0x208: {  	[sflag:s4] =	ssyncset.done $0x0  }
0x209: {  	[sflag:s4] =	ssyncadd.s32 $0xFFFFC400  }
0x20a: {  	_ =	swait.ge [sflag:s8], $0x3C00  }
0x20b: {  	[sflag:s8] =	ssyncset.done $0x0  }
0x20c: {  	[sflag:s8] =	ssyncadd.s32 $0xFFFFC400  }
0x20d: {  	[tilespmem:s10], [sflag:$0x1] =	stream.indirect.gather [hbm4b:s3+s9], $0x80, s17, s9, $0xb8;
	[tilespmem:$0x8400] =	vst v63  }
0x20e: {  	s25 =	rddreg [dreg:$0x10]  }
0x20f: {  	[hbm4b:s25+s2] =	stream.linear.scatter [tilespmem:s7], [sflag:$0x3], $0x3C00, $0x38;
	[tilespmem:$0x8400] =	vst v63  }
0x210: {  	_ =	swait.ge [sflag:s4], $0x3C00  }
0x211: {  	[sflag:s4] =	ssyncset.done $0x0  }
0x212: {  	[sflag:s4] =	ssyncadd.s32 $0xFFFFC400  }
0x213: {  	_ =	swait.ge [sflag:s11], $0x3C00  }
0x214: {  	[sflag:s11] =	ssyncset.done $0x0  }
0x215: {  	[sflag:s11] =	ssyncadd.s32 $0xFFFFC400  }
0x216: {  	[tilespmem:s7], [sflag:$0x2] =	stream.indirect.gather [hbm4b:s3+s9], $0x80, s16, s9, $0xb8;
	[tilespmem:$0x8400] =	vst v63  }
0x217: {  	s26 =	rddreg [dreg:$0x11]  }
0x218: {  	[hbm4b:s26+s2] =	stream.linear.scatter [tilespmem:s10], [sflag:$0x3], $0x3C00, $0x38;
	[tilespmem:$0x8400] =	vst v63  }
0x219: {  	_ =	swait.ge [sflag:s4], $0x3C00  }
0x21a: {  	[sflag:s4] =	ssyncset.done $0x0  }
0x21b: {  	[sflag:s4] =	ssyncadd.s32 $0xFFFFC400  }
0x21c: {  	_ =	swait.ge [sflag:s8], $0x3C00  }
0x21d: {  	[sflag:s8] =	ssyncset.done $0x0  }
0x21e: {  	[sflag:s8] =	ssyncadd.s32 $0xFFFFC400  }
0x21f: {  	[tilespmem:s10], [sflag:$0x1] =	stream.indirect.gather [hbm4b:s3+s9], $0x80, s15, s9, $0xb8;
	[tilespmem:$0x8400] =	vst v63  }
0x220: {  	s28 =	rddreg [dreg:$0x12]  }
0x221: {  	[hbm4b:s28+s2] =	stream.linear.scatter [tilespmem:s7], [sflag:$0x3], $0x3C00, $0x38;
	[tilespmem:$0x8400] =	vst v63  }
0x222: {  	_ =	swait.ge [sflag:s4], $0x3C00  }
0x223: {  	[sflag:s4] =	ssyncset.done $0x0  }
0x224: {  	[sflag:s4] =	ssyncadd.s32 $0xFFFFC400  }
0x225: {  	_ =	swait.ge [sflag:s11], $0x3C00  }
0x226: {  	[sflag:s11] =	ssyncset.done $0x0  }
0x227: {  	[sflag:s11] =	ssyncadd.s32 $0xFFFFC400  }
0x228: {  	[tilespmem:s7], [sflag:$0x2] =	stream.indirect.gather [hbm4b:s3+s9], $0x80, s14, s9, $0xb8;
	[tilespmem:$0x8400] =	vst v63  }
0x229: {  	s29 =	rddreg [dreg:$0x13]  }
0x22a: {  	[hbm4b:s29+s2] =	stream.linear.scatter [tilespmem:s10], [sflag:$0x3], $0x3C00, $0x38;
	[tilespmem:$0x8400] =	vst v63  }
0x22b: {  	_ =	swait.ge [sflag:s4], $0x3C00  }
0x22c: {  	[sflag:s4] =	ssyncset.done $0x0  }
0x22d: {  	[sflag:s4] =	ssyncadd.s32 $0xFFFFC400  }
0x22e: {  	_ =	swait.ge [sflag:s8], $0x3C00  }
0x22f: {  	[sflag:s8] =	ssyncset.done $0x0  }
0x230: {  	[sflag:s8] =	ssyncadd.s32 $0xFFFFC400  }
0x231: {  	[tilespmem:s10], [sflag:$0x1] =	stream.indirect.gather [hbm4b:s3+s9], $0x80, s13, s9, $0xb8;
	[tilespmem:$0x8400] =	vst v63  }
0x232: {  	s30 =	rddreg [dreg:$0x14]  }
0x233: {  	[hbm4b:s30+s2] =	stream.linear.scatter [tilespmem:s7], [sflag:$0x3], $0x3C00, $0x38;
	[tilespmem:$0x8400] =	vst v63  }
0x234: {  	_ =	swait.ge [sflag:s4], $0x3C00  }
0x235: {  	[sflag:s4] =	ssyncset.done $0x0  }
0x236: {  	[sflag:s4] =	ssyncadd.s32 $0xFFFFC400  }
0x237: {  	_ =	swait.ge [sflag:s11], $0x3C00  }
0x238: {  	[sflag:s11] =	ssyncset.done $0x0  }
0x239: {  	[sflag:s11] =	ssyncadd.s32 $0xFFFFC400  }
0x23a: {  	[tilespmem:s7], [sflag:$0x2] =	stream.indirect.gather [hbm4b:s3+s9], $0x80, s12, s9, $0xb8;
	[tilespmem:$0x8400] =	vst v63  }
0x23b: {  	_ = 	snop  }
0x23c: {  	[hbm4b:s6+s2] =	stream.linear.scatter [tilespmem:s10], [sflag:$0x3], $0x3C00, $0x38;
	[tilespmem:$0x8400] =	vst v63  }
0x23d: {  	_ =	swait.ge [sflag:s4], $0x3C00  }
0x23e: {  	[sflag:s4] =	ssyncset.done $0x0  }
0x23f: {  	[sflag:s4] =	ssyncadd.s32 $0xFFFFC400  }
0x240: {  	_ =	swait.ge [sflag:s8], $0x3C00  }
0x241: {  	[sflag:s8] =	ssyncset.done $0x0  }
0x242: {  	[sflag:s8] =	ssyncadd.s32 $0xFFFFC400  }
0x243: {  	[hbm4b:s5+s2] =	stream.linear.scatter [tilespmem:s7], [sflag:$0x3], $0x3C00, $0x38;
	[tilespmem:$0x8400] =	vst v63  }
0x244: {  	_ =	swait.ge [sflag:s4], $0x3C00  }
0x245: {  	[sflag:s4] =	ssyncset.done $0x0  }
0x246: {  	[sflag:s4] =	ssyncadd.s32 $0xFFFFC400  }
0x247: {  	_ =	sfence.sel $0x180000  }
0x248: {  	[bflag:$0x0] =	sbarrier.arrive $0xFFFF  }
0x249: {  	_ =	strace $0x90000047  }
0x24a: {  	s31 =	stileid.u32;
	[bflag:$0x2] =	sbarrier.arrive $0xFFFF  }
0x24b: {  	p0 =	sne.s32 s31, $0x0;
	s0 =	rddreg [dreg:$0x1]  }
0x24c: {  	s0 =	sadd.s32 @!p0 $0x100000, s0  }
0x24d: {  	[sflag:s0] =	ssyncadd.tile.s32 @!p0 $0x1;
	_ =	shalt  }
.Lfunc_end2:
_tile_overlayer_lowered:
.L_overlay_start_2:
0x24e: {  	(tag) =	ssettag $0x2  }
0x24f: {  	s0 =	rddreg [dreg:$0x0];
	s2 =	stileid.u32  }
0x250: {  	s1 =	rddreg [dreg:$0x1];
	p0 =	sne.s32 s2, $0x0  }
0x251: {  	s3 =	rddreg [dreg:$0x2];
	[bflag:$0x3] =	sbarrier.arrive $0xFFFF;
	s2 =	simm.s32 @!p0 $0x1C03  }
0x252: {  	[timem:s3], [sflag:s2] =	dma.local @!p0 [hbm:s0], s1  }
0x253: {  	s0 =	simm.s32 @!p0 $0x3  }
0x254: {  	_ =	swait.ge @!p0 [sflag:s0], s1  }
0x255: {  	s1 =	ssub.s32 @!p0 $0x0, s1;
	[sflag:s0] =	ssyncset.done @!p0 $0x0  }
0x256: {  	[sflag:s0] =	ssyncadd.s32 @!p0 s1  }
0x257: {  	[bflag:$0x3] =	sbarrier.arrive $0xFFFF  }
0x258: {  	_ =	shalt  }

// kernel: sparse-core-data-format-call.cloned.1.call-start
scs
called_computation_lowered:
.L_overlay_start_0:
0x0: {  	s2 =	sld [smem:$0x3FD9]  }
0x1: {  	s3 =	sld [smem:$0x3FFE];
	_ =	sdelay $0x1  }
0x2: {  	s1 =	srdreg.scid  }
0x3: {  	s0 =	sand.u32 $0x1, s1  }
0x4: {  	s18 =	sshll.u32 s0, $0xA;
	s2 =	sadd.s32 s3, s2  }
0x5: {  	s2 =	sadd.s32 s2, s18  }
0x6: {  	[smem:$0x3FB4] =	sst s2  }
0x7: {  	_ = 	snop  }
0x8: {  	s2 =	sld [smem:$0x3FD0];
	(tm) =	ssettm $0x1  }
0x9: {  	s19 =	sld [smem:$0x3FFB];
	_ =	sdelay $0x3  }
0xa: {  	_ =	strace s19  }
0xb: {  	s3 =	sld [smem:$0x3FFC];
	_ =	sdelay $0x3  }
0xc: {  	_ =	strace s3  }
0xd: {  	s3 =	sld [smem:$0x3FFD];
	_ =	sdelay $0x3  }
0xe: {  	_ =	strace s3  }
0xf: {  	_ =	strace $0x8FFFFFFF  }
0x10: {  	s20 =	sld [smem:$0x3FDB];
	_ =	sdelay $0x1  }
0x11: {  	s4 =	simm.s32 $_scs_section_size  }
0x12: {  	s5 =	simm.s32 $_size__tile_overlayer_lowered;
	s6 =	simm.s32 $_tile_overlayer_lowered  }
0x13: {  	s23 =	simm.s32 $0x1BFF;
	s22 =	sshll.u32 s6, $0x1;
	s3 =	sadd.s32 s4, s20  }
0x14: {  	s7 =	simm.s32 $0x0;
	s21 =	sshll.u32 s5, $0x1;
	s5 =	sadd.s32 s22, s3  }
0x15: {  	[timem:s7], [sflag:s23] =	dma.local [hbm:s5], s21  }
0x16: {  	_ =	swait.ge [sflag:s23], s21  }
0x17: {  	s4 =	ssub.s32 $0x0, s21;
	[sflag:s23] =	ssyncset.done $0x0  }
0x18: {  	[sflag:s23] =	ssyncadd.s32 s4;
	_ =	sdelay $0x1  }
0x19: {  	s24 =	simm.s32 $0x1B8B  }
0x1a: {  	_ =	swait.ge [sflag:s24], $0x1  }
0x1b: {  	[sflag:s24] =	ssyncset.done $0x0  }
0x1c: {  	s26 =	simm.s32 $0x1B8E;
	s25 =	sld [smem:$0x3FFE];
	[sflag:s24] =	ssyncadd.s32 $0xFFFFFFFF  }
0x1d: {  	s27 =	simm.s32 $execute0_lowered;
	[smem:$0x3FD2] =	sst s26  }
0x1e: {  	s5 =	sshll.u32 s27, $0x1;
	_ =	strace $0x80000049;
	[dreg:$0x1] =	wrdreg $0xFFFFFFFF  }
0x1f: {  	s28 =	simm.s32 $_size_execute0_lowered;
	s3 =	sadd.s32 s3, s5;
	[dreg:$0x0] =	wrdreg $0x0  }
0x20: {  	s5 =	sshll.u32 s28, $0x1;
	[dreg:$0x2] =	wrdreg s3  }
0x21: {  	[dreg:$0x3] =	wrdreg s5  }
0x22: {  	[dreg:$0x4] =	wrdreg $0xC0  }
0x23: {  	_ =	task [dreg:s7], $0x5FFFF  }
0x24: {  	[dreg:$0x1] =	wrdreg $0xFFFFFFFF  }
0x25: {  	[dreg:$0x0] =	wrdreg $0x60  }
0x26: {  	[dreg:$0x2] =	wrdreg s25  }
0x27: {  	[dreg:$0x3] =	wrdreg s2  }
0x28: {  	[dreg:$0x4] =	wrdreg $0x9  }
0x29: {  	_ =	task.clear_ibuf [dreg:s7], $0x5FFFF;
	_ =	strace $0x90000049  }
0x2a: {  	s29 =	simm.s32 $0x9;
	_ =	strace $0x8000004B  }
0x2b: {  	_ =	swait.ge [sflag:s29], $0x1  }
0x2c: {  	[sflag:s29] =	ssyncadd.s32 $0xFFFFFFFF  }
0x2d: {  	_ =	strace $0x9000004B  }
0x2e: {  	_ =	sfence  }
0x2f: {  	s30 =	sld [smem:$0x0];
	_ =	sdelay $0x2  }
0x30: {  	s31 =	sshll.u32 s1, $0xD;
	s1 =	sshrl.u32 s1, $0x2  }
0x31: {  	s3 =	sand.u32 $0x4000, s31;
	s1 =	sadd.s32 s1, s30  }
0x32: {  	s0 =	sor.u32 s3, s0;
	s1 =	sshll.u32 s1, $0x11  }
0x33: {  	s0 =	sor.u32 s1, s0  }
0x34: {  	s0 =	sadd.s32 $0x8F2B, s0  }
0x35: {  	[sflag:s0] =	ssyncadd.remote.s32 $0x1  }
0x36: {  	_ =	sfence.sel $0xFFFF  }
0x37: {  	[dreg:$0x0] =	wrdreg $0xFFFFFFFF;
	(pc) =	sbr.abs _section_cstart, $3  }
0x38: {  	[dreg:$0x1] =	wrdreg $0xFFFFFFFF  }
0x39: {  	_ =	task.clear_ibuf [dreg:s7], $0x2FFFF;
	_ =	strace $0x9FFFFFFF  }
0x3a: {  	(tm) =	ssettm $0x7FFFFFFF  }
0x3b: {  	_ =	shalt  }
tec
execute0_lowered:
.L_overlay_start_1:
0x0: {  	(tag) =	ssettag $0x1  }
0x1: {  	s5 =	rddreg [dreg:$0x0]  }
0x2: {  	s0 =	srdreg.scid;
	s2 =	rddreg [dreg:$0x1]  }
0x3: {  	s1 =	stileid.u32;
	s31 =	simm.s32 $0x2;
	s15 =	simm.s32 $0x0  }
0x4: {  	p0 =	por $0x0, $0x0;
	s17 =	simm.s32 $0x0;
	s12 =	simm.s32 $0x0  }
0x5: {  	s18 =	simm.s32 $0x0;
	s13 =	simm.s32 $0x0;
	s16 =	simm.s32 $0x0  }
0x6: {  	s3 =	sshll.u32 s0, $0x4;
	s0 =	rddreg [dreg:$0x2];
	s4 =	sshll.u32 s1, $0x6  }
0x7: {  	_ =	strace $0x8000004A;
	s3 =	sand.u32 $0x10, s3;
	s4 =	sand.u32 $0x80, s4  }
0x8: {  	s6 =	sshll.u32 s1, $0xD;
	s3 =	sor.u32 s1, s3;
	s9 =	ssub.s32 $0x100, s4  }
0x9: {  	s7 =	sshll.u32 s3, $0x5;
	s3 =	sand.u32 $0x1, s1;
	s11 =	sshrl.u32 s9, $0x7  }
0xa: {  	s9 =	sshrl.u32 s9, $0x8;
	s8 =	ssub.s32 $0x32, s3;
	s6 =	sor.u32 s6, s7  }
0xb: {  	s11 =	sand.u32 $0x1, s11;
	s7 =	sand.u32 $0x380, s7;
	s14 =	smov.u32 s3  }
.Ltmp0:
0xc: {  	s10 =	sshrl.u32 s8, $0x1;
	s8 =	sand.u32 $0x1, s8;
	(pc) =	sbr.rel .LBB1_1-.Ltmp0, $4  }
0xd: {  	s6 =	sand.u32 $0x4380, s6;
	s9 =	sadd.s32 s9, s11;
	s8 =	sadd.s32 s8, s10  }
0xe: {  	s30 =	sadd.s32 s6, s5;
	s5 =	simm.s32 $0x1;
	s6 =	smul.u32 s8, s9  }
0xf: {  	s11 =	simm.s32 $0x800;
	s10 =	simm.s32 $0x400;
	[sflag:s5] =	ssyncpa.u1 $0x0  }
0x10: {  	s8 =	sadd.s32 $0x2E00, s30;
	[sflag:s31] =	ssyncpa.u1 $0x0;
	s9 =	sadd.s32 $0x1, s6  }
.LBB1_4:
0x11: {  	v5 =	vld [tilespmem:s20+$0xFFFFFFD0];
	[tilespmem:s22+$0x2040 ss:$0x81] =	vst.msk $0xffff, v2  }
0x12: {  	v58 =	vld [tilespmem:s20+$0xFFFFFFE0];
	[tilespmem:s22+$0x2850 ss:$0x81] =	vst.msk $0xffff, v3  }
0x13: {  	s23 =	sshra.s32 s23, $0x2;
	v59 =	vld [tilespmem:s20+$0xFFFFFFF0];
	[tilespmem:s22+$0x3060 ss:$0x81] =	vst.msk $0xffff, v4;
	p1 =	sgt.s32 s13, $0x31  }
0x14: {  	v60 =	vld [tilespmem:s20+$0x0];
	[tilespmem:s22+$0x0 ss:$0x81] =	vst.msk $0xffff, v0;
	s22 =	smov.u32 s13;
	s27 =	sshra.s32 s13, $0x1F;
	s21 =	sadd.s32 s23, s21  }
0x15: {  	v61 =	vld [tilespmem:s20+$0x10];
	s22 =	simm.s32 @!p1 $0x31;
	s23 =	sand.u32 s27, s13;
	[tilespmem:s21+$0x3870 ss:$0x81] =	vst.msk $0xffff, v1  }
0x16: {  	v62 =	vld [tilespmem:s20+$0x20];
	p1 =	sgt.s32 s12, $0x368;
	s22 =	ssub.s32 s22, s23;
	s23 =	smov.u32 s12;
	[tilespmem:s21+$0x810 ss:$0x81] =	vst.msk $0xffff, v5  }
0x17: {  	v63 =	vld [tilespmem:s20+$0xFFFFFFC0];
	s28 =	sadd.s32 $0xFFFFFFCF, s22;
	s23 =	simm.s32 @!p1 $0x368;
	[tilespmem:s21+$0x1020 ss:$0x81] =	vst.msk $0xffff, v58  }
0x18: {  	s20 =	ssub.s32 $0x32, s22;
	p1 =	sgt.s32 s28, $0x0;
	s29 =	sshll.u32 s23, $0x7;
	[tilespmem:s21+$0x1830 ss:$0x81] =	vst.msk $0xffff, v59  }
0x19: {  	s30 =	smul.u32 $0x7D00, s13;
	[tilespmem:s21+$0x2040 ss:$0x81] =	vst.msk $0xffff, v60;
	s20 =	simm.s32 @p1 $0x0;
	s22 =	ssub.s32 $0x1F400, s29  }
0x1a: {  	s18 =	sadd.s32 s2, s18;
	[tilespmem:s21+$0x2850 ss:$0x81] =	vst.msk $0xffff, v61;
	s20 =	smul.u32 s20, s22  }
0x1b: {  	s31 =	sshll.u32 s12, $0x5;
	s18 =	sadd.s32 s30, s18;
	[tilespmem:s21+$0x3060 ss:$0x81] =	vst.msk $0xffff, v62  }
0x1c: {  	s18 =	sadd.s32 s31, s18;
	[tilespmem:s21+$0x0 ss:$0x81] =	vst.msk $0xffff, v63;
	s20 =	sand.u32 $0x3FFFFF80, s20  }
0x1d: {  	[hbm4b:s18+s10] =	stream.strided.scatter [tilespmem:s19], [sflag:$0x2], s20, s11, s10, $0x20;
	[tilespmem:$0x10100] =	vst v63  }
.LBB1_5:
0x1e: {  	p1 =	slt.u32 s16, $0x2  }
0x1f: {  	p2 =	sgt.s32 @!p1 s17, $0x31  }
0x20: {  	s18 =	smov.u32 s17;
	s19 =	sshra.s32 @!p1 s17, $0x1F;
	p2 =	por !p2, p1  }
0x21: {  	s17 =	sand.u32 @!p1 s19, s17;
	s18 =	simm.s32 @p2 $0x31  }
0x22: {  	p2 =	sgt.s32 @!p1 s15, $0x368;
	s17 =	ssub.s32 @!p1 s18, s17  }
0x23: {  	s21 =	sadd.s32 $0x1, s16;
	p2 =	por !p2, p1;
	s18 =	sadd.s32 @!p1 $0xFFFFFFCF, s17  }
0x24: {  	s19 =	sadd.s32 $0x2, s14;
	s15 =	simm.s32 @p2 $0x368;
	p2 =	sgt.s32 @!p1 s18, $0x0  }
0x25: {  	s17 =	ssub.s32 @!p1 $0x32, s17;
	s15 =	sshll.u32 @!p1 s15, $0x7;
	p2 =	por !p2, p1  }
0x26: {  	s15 =	ssub.s32 @!p1 $0x1F400, s15;
	s17 =	simm.s32 @!p2 $0x0;
	p2 =	sgt.s32 s19, $0x31  }
0x27: {  	s15 =	smul.u32 @!p1 s17, s15;
	s19 =	smov.u32 @p2 s3;
	p2 =	sne.s32 s16, s9  }
.Ltmp1:
0x28: {  	p0 =	por !p0, !p0;
	s18 =	simm.s32 @!p1 $0x2;
	(pc) =	sbr.rel @!p2 .LBB1_6-.Ltmp1, $4  }
0x29: {  	s17 =	smov.u32 s13;
	s13 =	smov.u32 s14;
	s15 =	sand.u32 @!p1 $0x3FFFFF80, s15  }
0x2a: {  	s16 =	smov.u32 s21;
	s14 =	smov.u32 s19;
	_ =	swait.ge @!p1 [sflag:s18], s15  }
0x2b: {  	s20 =	ssub.s32 @!p1 $0x0, s15;
	s15 =	smov.u32 s12;
	[sflag:s18] =	ssyncset.done @!p1 $0x0  }
0x2c: {  	s12 =	smov.u32 s7;
	[sflag:s18] =	ssyncadd.s32 @!p1 s20;
	s18 =	smov.u32 s4  }
.LBB1_1:
0x2d: {  	p1 =	sge.u32 s16, s6  }
0x2e: {  	s31 =	sadd.s32 $0xFFFFFFFF, s16;
	s19 =	sxor.u32 @!p1 $0xFFFFFFFF, s16  }
0x2f: {  	s20 =	sshll.u32 @!p1 s14, $0xF;
	s21 =	simm.s32 @!p1 $0x400;
	s19 =	sshll.u32 @!p1 s19, $0xE  }
0x30: {  	s22 =	simm.s32 @!p1 $0x2000;
	s20 =	sadd.s32 @!p1 s20, s8;
	s19 =	sand.u32 @!p1 $0x4000, s19  }
0x31: {  	[tilespmem:s19], [sflag:$0x1] =	stream.strided.gather @!p1 [hbm4b:s20+s21], $0x4000, s22, s21, $0x38;
	[tilespmem:$0x10100] =	vst v63  }
0x32: {  	p1 =	sge.u32 s31, s6  }
.Ltmp2:
0x33: {  	_ = 	snop;
	(pc) =	sbr.rel @p1 .LBB1_5-.Ltmp2, $1  }
0x34: {  	_ =	sdelay $0x3  }
0x35: {  	s19 =	simm.s32 $0x1  }
0x36: {  	_ =	swait.ge [sflag:s5], $0x4000;
	s19 =	simm.s32 @!p0 $0x0  }
0x37: {  	[sflag:s5] =	ssyncset.done $0x0;
	s20 =	sshll.u32 s19, $0xE  }
0x38: {  	[sflag:s5] =	ssyncadd.s32 $0xFFFFC000;
	s20 =	sor.u32 $0x40, s20  }
0x39: {  	s19 =	smul.u32 $0x10200, s19;
	v0 =	vld [tilespmem:s20+$0x30]  }
0x3a: {  	v1 =	vld [tilespmem:s20+$0xFFFFFFD0]  }
0x3b: {  	s19 =	sshrl.u32 s19, $0x2;
	v5 =	vld [tilespmem:s20+$0xFFFFFFE0]  }
0x3c: {  	v6 =	vld [tilespmem:s20+$0xFFFFFFF0];
	s21 =	sor.u32 $0x8000, s19  }
0x3d: {  	s31 =	sand.u32 $0x1, s16;
	v2 =	vld [tilespmem:s20+$0x0];
	s22 =	sadd.s32 $0x0, s21  }
0x3e: {  	v3 =	vld [tilespmem:s20+$0x10];
	s19 =	smul.u32 $0x10200, s31;
	[tilespmem:s22+$0x3870 ss:$0x81] =	vst.msk $0xffff, v0  }
0x3f: {  	v4 =	vld [tilespmem:s20+$0x20];
	[tilespmem:s22+$0x810 ss:$0x81] =	vst.msk $0xffff, v1  }
0x40: {  	s19 =	sshrl.u32 s19, $0x2;
	v0 =	vld [tilespmem:s20+$0xFFFFFFC0];
	[tilespmem:s22+$0x1020 ss:$0x81] =	vst.msk $0xffff, v5;
	s20 =	sadd.s32 $0x80, s20  }
0x41: {  	s23 =	simm.s32 $0x4;
	s24 =	simm.s32 $0x8;
	s19 =	sor.u32 $0x8000, s19;
	[tilespmem:s22+$0x1830 ss:$0x81] =	vst.msk $0xffff, v6;
	v1 =	vld [tilespmem:s20+$0x30]  }
.LBB1_3:
0x42: {  	p1 =	sne.s32 s24, $0x1FC;
	v5 =	vld [tilespmem:s20+$0xFFFFFFD0];
	[tilespmem:s22+$0x2040 ss:$0x81] =	vst.msk $0xffff, v2  }
0x43: {  	v6 =	vld [tilespmem:s20+$0xFFFFFFE0];
	[tilespmem:s22+$0x2850 ss:$0x81] =	vst.msk $0xffff, v3  }
0x44: {  	s25 =	sshra.s32 s23, $0x2;
	s23 =	smov.u32 s24;
	v7 =	vld [tilespmem:s20+$0xFFFFFFF0];
	[tilespmem:s22+$0x3060 ss:$0x81] =	vst.msk $0xffff, v4  }
.Ltmp3:
0x45: {  	v2 =	vld [tilespmem:s20+$0x0];
	[tilespmem:s22+$0x0 ss:$0x81] =	vst.msk $0xffff, v0;
	s22 =	sadd.s32 s25, s21;
	(pc) =	sbr.rel @p1 .LBB1_3-.Ltmp3, $4  }
0x46: {  	v3 =	vld [tilespmem:s20+$0x10];
	[tilespmem:s22+$0x3870 ss:$0x81] =	vst.msk $0xffff, v1  }
0x47: {  	[tilespmem:s22+$0x810 ss:$0x81] =	vst.msk $0xffff, v5;
	v4 =	vld [tilespmem:s20+$0x20]  }
0x48: {  	v0 =	vld [tilespmem:s20+$0xFFFFFFC0];
	[tilespmem:s22+$0x1020 ss:$0x81] =	vst.msk $0xffff, v6;
	s20 =	sadd.s32 $0x80, s20  }
0x49: {  	s24 =	sadd.s32 $0x4, s24;
	v1 =	vld [tilespmem:s20+$0x30];
	[tilespmem:s22+$0x1830 ss:$0x81] =	vst.msk $0xffff, v7  }
.Ltmp4:
0x4a: {  	_ = 	snop;
	(pc) =	sbr.rel .LBB1_4-.Ltmp4, $1  }
0x4b: {  	_ =	sdelay $0x3  }
.LBB1_6:
0x4c: {  	_ =	sfence.sel $0x180000  }
0x4d: {  	s2 =	simm.s32 $0x1;
	[bflag:$0x0] =	sbarrier.arrive $0xFFFF  }
0x4e: {  	s31 =	simm.s32 $0x2;
	[sflag:s2] =	ssyncpa.u1 $0x1  }
0x4f: {  	[sflag:s31] =	ssyncpa.u1 $0x1  }
0x50: {  	p0 =	sne.s32 s1, $0x0;
	_ =	strace $0x9000004A  }
0x51: {  	s0 =	sadd.s32 @!p0 $0x100000, s0;
	[bflag:$0x2] =	sbarrier.arrive $0xFFFF  }
0x52: {  	[sflag:s0] =	ssyncadd.tile.s32 @!p0 $0x1;
	_ =	shalt  }
.Lfunc_end1:
_tile_overlayer_lowered:
.L_overlay_start_2:
0x53: {  	(tag) =	ssettag $0x2  }
0x54: {  	s0 =	rddreg [dreg:$0x0];
	s2 =	stileid.u32  }
0x55: {  	s1 =	rddreg [dreg:$0x1];
	p0 =	sne.s32 s2, $0x0  }
0x56: {  	s3 =	rddreg [dreg:$0x2];
	[bflag:$0x3] =	sbarrier.arrive $0xFFFF;
	s2 =	simm.s32 @!p0 $0x1C01  }
0x57: {  	[timem:s3], [sflag:s2] =	dma.local @!p0 [hbm:s0], s1  }
0x58: {  	s0 =	simm.s32 @!p0 $0x1  }
0x59: {  	_ =	swait.ge @!p0 [sflag:s0], s1  }
0x5a: {  	s1 =	ssub.s32 @!p0 $0x0, s1;
	[sflag:s0] =	ssyncset.done @!p0 $0x0  }
0x5b: {  	[sflag:s0] =	ssyncadd.s32 @!p0 s1  }
0x5c: {  	[bflag:$0x3] =	sbarrier.arrive $0xFFFF  }
0x5d: {  	_ =	shalt  }

</sc_bundles>
